<compile_context>
chip_gen: v7x
topology: tpu7x:2x2x1
jax: 0.10.2.dev20260603
libtpu: 0.0.44.dev20260713+nightly
codegen_flags: <defaults>
</compile_context>

<pallas_src>
import functools

import jax
import jax.numpy as jnp
from jax import lax
from jax.experimental import pallas as pl
from jax.experimental.pallas import tpu as pltpu
from jax.experimental.pallas import tpu_sc as plsc

B, C, H, W = 8, 3, 224, 224
ZC = 256
E = 256
K = 1024
DS = 8
HP = H // DS
N = B * HP * HP
P = C * DS * DS
TN = HP * HP
PW = 256

NSC = 2
NTEC = 16
NWORK = NSC * NTEC
QI = HP // 4
QTOK = QI * HP
QPAD = 208
QY = QI * DS


def _main_body(patch_ref, w1_ref, encb_ref, prewt_ref, preb_ref, cbt_ref,
               cnorm_ref, gt_ref, z_ref, zq_ref, tok_ref):
    p = patch_ref[...]
    ze = jnp.dot(p, w1_ref[...],
                 preferred_element_type=jnp.float32) + encb_ref[...]
    z = jnp.dot(ze.astype(jnp.bfloat16), prewt_ref[...],
                preferred_element_type=jnp.float32) + preb_ref[...]
    z_ref[0] = z.T
    mm = jnp.dot(z.astype(jnp.bfloat16), cbt_ref[...],
                 preferred_element_type=jnp.float32)
    rnorm = jnp.sum(z * z, axis=1, keepdims=True)
    dist = (rnorm + cnorm_ref[...]) - 2.0 * mm
    m = jnp.min(dist, axis=1, keepdims=True)
    iota = lax.broadcasted_iota(jnp.int32, dist.shape, 1)
    cand = jnp.where(dist == m, iota, K)
    tok = jnp.min(cand, axis=1, keepdims=True)
    tok_ref[0, 0, :] = tok[:, 0]
    onehot = (iota == tok).astype(jnp.bfloat16)
    g = jnp.dot(onehot, gt_ref[...],
                preferred_element_type=jnp.float32)
    zq_ref[0] = g.T


def _precompute_body(cb_ref, postwt_ref, wd2_ref, postb_ref, decb_ref,
                     cnorm_ref, gt_ref, cb2_ref):
    wpd = jnp.dot(postwt_ref[...], wd2_ref[...],
                  preferred_element_type=jnp.float32,
                  precision=lax.Precision.HIGHEST)
    vb = jnp.dot(postb_ref[...], wd2_ref[...],
                 preferred_element_type=jnp.float32,
                 precision=lax.Precision.HIGHEST) + decb_ref[...]
    cb = cb_ref[...]
    cb2_ref[:, :P] = jnp.dot(cb, wpd, preferred_element_type=jnp.float32,
                             precision=lax.Precision.HIGHEST) + vb
    cb2_ref[:, P:] = jnp.zeros((K, PW - P), jnp.float32)
    cnorm_ref[0, :] = jnp.sum(cb * cb, axis=1)
    gt_ref[...] = cb.astype(jnp.bfloat16)


def _rec_sc_body(tok_hbm, cb2_hbm, rec_hbm, idx_v, rows_v, out_v, sem):
    wid = lax.axis_index("s") * NSC + lax.axis_index("c")
    b = wid >> 2
    q = wid & 3
    base = b * TN + q * QTOK
    off = base & 7
    base8 = pl.multiple_of(base - off, 8)
    pltpu.sync_copy(tok_hbm.at[pl.ds(base8, QPAD)], idx_v)
    pltpu.async_copy(cb2_hbm.at[idx_v], rows_v, sem).wait()
    lanes = lax.iota(jnp.int32, 16)
    rowpat = lanes >> 3
    colpat = lanes & 7
    for cc in range(C):
        def yy_body(yy, carry):
            il = yy >> 3
            di = yy & 7
            colbase = cc * 64 + di * 8
            rowb = off + il * HP
            cvec = colpat + colbase
            for k in range(14):
                rvec = rowpat + (rowb + 2 * k)
                vals = plsc.load_gather(rows_v, [rvec, cvec])
                out_v[cc, yy, pl.ds(16 * k, 16)] = vals
            return carry
        lax.fori_loop(0, QY, yy_body, 0)
    yb = pl.multiple_of(q * QY, 8)
    for cc in range(C):
        pltpu.sync_copy(out_v.at[cc],
                        rec_hbm.at[b, cc, pl.ds(yb, QY), :])


def _rec_gather(tok_pad, cb2):
    mesh = plsc.VectorSubcoreMesh(core_axis_name="c", subcore_axis_name="s")
    return pl.kernel(
        _rec_sc_body,
        mesh=mesh,
        compiler_params=pltpu.CompilerParams(needs_layout_passes=False),
        out_type=jax.ShapeDtypeStruct((B, C, H, W), jnp.float32),
        scratch_types=[
            pltpu.VMEM((QPAD,), jnp.int32),
            pltpu.VMEM((QPAD, PW), jnp.float32),
            pltpu.VMEM((C, QY, W), jnp.float32),
            pltpu.SemaphoreType.DMA,
        ],
    )(tok_pad, cb2)


def kernel(x, enc_W, enc_b, pre_W, pre_b, codebook, post_W, post_b, dec_W, dec_b):
    patches = x.reshape(B, C, HP, DS, HP, DS).transpose(0, 2, 4, 1, 3, 5)
    patches = patches.reshape(N, P).astype(jnp.bfloat16)
    w1 = enc_W.reshape(ZC, P).T.astype(jnp.bfloat16)
    prewt = pre_W.T.astype(jnp.bfloat16)
    cbt = codebook.T.astype(jnp.bfloat16)
    wd2 = dec_W[:, :, ::-1, ::-1].transpose(1, 0, 2, 3).reshape(ZC, P)
    postwt = post_W.T
    encb2 = enc_b.reshape(1, ZC)
    preb2 = pre_b.reshape(1, E)
    postb2 = post_b.reshape(1, ZC)
    decb2 = jnp.repeat(dec_b, DS * DS).reshape(1, P)

    cnorm, gtable, cb2 = pl.pallas_call(
        _precompute_body,
        out_shape=(
            jax.ShapeDtypeStruct((1, K), jnp.float32),
            jax.ShapeDtypeStruct((K, E), jnp.bfloat16),
            jax.ShapeDtypeStruct((K, PW), jnp.float32),
        ),
    )(codebook, postwt, wd2, postb2, decb2)

    zt, zqt, tok = pl.pallas_call(
        _main_body,
        grid=(B,),
        in_specs=[
            pl.BlockSpec((TN, P), lambda i: (i, 0)),
            pl.BlockSpec((P, ZC), lambda i: (0, 0)),
            pl.BlockSpec((1, ZC), lambda i: (0, 0)),
            pl.BlockSpec((ZC, E), lambda i: (0, 0)),
            pl.BlockSpec((1, E), lambda i: (0, 0)),
            pl.BlockSpec((E, K), lambda i: (0, 0)),
            pl.BlockSpec((1, K), lambda i: (0, 0)),
            pl.BlockSpec((K, E), lambda i: (0, 0)),
        ],
        out_specs=(
            pl.BlockSpec((1, E, TN), lambda i: (i, 0, 0)),
            pl.BlockSpec((1, E, TN), lambda i: (i, 0, 0)),
            pl.BlockSpec((1, 1, TN), lambda i: (i, 0, 0)),
        ),
        out_shape=(
            jax.ShapeDtypeStruct((B, E, TN), jnp.float32),
            jax.ShapeDtypeStruct((B, E, TN), jnp.float32),
            jax.ShapeDtypeStruct((B, 1, TN), jnp.int32),
        ),
    )(patches, w1, encb2, prewt, preb2, cbt, cnorm, gtable)

    tok_pad = jnp.concatenate([tok.reshape(N), jnp.zeros(16, jnp.int32)])
    rec = _rec_gather(tok_pad, cb2)

    z = zt.reshape(B, E, HP, HP)
    z_q = zqt.reshape(B, E, HP, HP)
    return (z, z_q, rec)

# --- scband reference (transcript-rebuilt; emitter-appended) ---
"""Pipeline reference for scband-tokenizer-89163521065953 (READ-ONLY COPY).

The authoritative reference and input builder live on the scoring server;
editing this copy changes nothing except your own understanding.
"""

import jax, jax.numpy as jnp
import numpy as np

B, C, H, W = 8, 3, 224, 224
ZC = 256        # encoder z_channels
E = 256         # embed_dim (codebook dim)
K = 1024        # vocab_size
DS = 8          # downsample factor (kernel=stride=8)


def setup_inputs(seed: int = 0) -> dict:
    key = jax.random.key(seed)
    ks = [jax.random.fold_in(key, i) for i in range(12)]
    x = jax.random.uniform(ks[0], (B, C, H, W), dtype=jnp.float32)
    enc_W = jax.random.normal(ks[1], (ZC, C, DS, DS), dtype=jnp.float32) * np.float32(1.0 / np.sqrt(C * DS * DS))
    enc_b = jnp.zeros((ZC,), dtype=jnp.float32)
    pre_W = jax.random.normal(ks[2], (E, ZC), dtype=jnp.float32) * np.float32(1.0 / np.sqrt(ZC))
    pre_b = jnp.zeros((E,), dtype=jnp.float32)
    codebook = jax.random.uniform(ks[3], (K, E), dtype=jnp.float32, minval=-1.0 / K, maxval=1.0 / K)
    post_W = jax.random.normal(ks[4], (ZC, E), dtype=jnp.float32) * np.float32(1.0 / np.sqrt(E))
    post_b = jnp.zeros((ZC,), dtype=jnp.float32)
    dec_W = jax.random.normal(ks[5], (C, ZC, DS, DS), dtype=jnp.float32) * np.float32(1.0 / np.sqrt(ZC))
    dec_b = jnp.zeros((C,), dtype=jnp.float32)
    return {"x": x, "enc_W": enc_W, "enc_b": enc_b, "pre_W": pre_W, "pre_b": pre_b,
            "codebook": codebook, "post_W": post_W, "post_b": post_b,
            "dec_W": dec_W, "dec_b": dec_b}


def reference(x, enc_W, enc_b, pre_W, pre_b, codebook, post_W, post_b, dec_W, dec_b):
    # encoder (minimal stand-in for undefined Encoder: one strided conv)
    z_e = jax.lax.conv_general_dilated(
        x, enc_W, window_strides=(DS, DS), padding='VALID',
        dimension_numbers=('NCHW', 'OIHW', 'NCHW')) + enc_b[None, :, None, None]
    # pre_quant_conv (1x1 conv)
    z = jnp.einsum('bchw,ec->behw', z_e, pre_W) + pre_b[None, :, None, None]
    b, e, h, w = z.shape
    z_flat = jnp.transpose(z, (0, 2, 3, 1)).reshape(b * h * w, e)
    # VQ nearest-neighbor: ||z||^2 + ||E||^2 - 2 z E^T
    dist = (z_flat ** 2).sum(axis=1, keepdims=True) + (codebook ** 2).sum(axis=1) \
        - 2.0 * (z_flat @ codebook.T)
    tokens = jnp.argmin(dist, axis=-1)
    z_q_flat = jnp.take(codebook, tokens, axis=0)
    z_q = jnp.transpose(z_q_flat.reshape(b, h, w, e), (0, 3, 1, 2))
    # straight-through estimator
    decoder_input = z + jax.lax.stop_gradient(z_q - z)
    # post_quant_conv (1x1 conv)
    d = jnp.einsum('behw,ce->bchw', decoder_input, post_W) + post_b[None, :, None, None]
    # decoder (minimal stand-in for undefined Decoder: one transposed conv)
    rec = jax.lax.conv_transpose(
        d, dec_W, strides=(DS, DS), padding='VALID',
        dimension_numbers=('NCHW', 'OIHW', 'NCHW')) + dec_b[None, :, None, None]
    return (z, z_q, rec)

if __name__ == "__main__":
    import jax
    _d = setup_inputs()
    print(jax.jit(kernel)(*tuple(_d.values())))

</pallas_src>

<mosaic_0001>
#map = affine_map<(d0, d1) -> (0)>
#map1 = affine_map<(d0, d1) -> (0, 0)>
#map2 = affine_map<(d0, d1) -> (0, 0, 0, 0)>
module attributes {stable_mosaic.version = 14 : i64} {
  func.func @_rec_sc_body(%arg0: i32, %arg1: i32, %arg2: memref<6288xi32, #tpu.memory_space<hbm>>, %arg3: memref<1024x256xf32, #tpu.memory_space<hbm>>, %arg4: memref<8x3x224x224xf32, #tpu.memory_space<hbm>>, %arg5: memref<208xi32, #tpu.memory_space<vmem>>, %arg6: memref<208x256xf32, #tpu.memory_space<vmem>>, %arg7: memref<3x56x224xf32, #tpu.memory_space<vmem>>, %arg8: memref<!tpu.dma_semaphore, #tpu.memory_space<semaphore_mem>>) attributes {dimension_semantics = [#tpu.dimension_semantics<core_parallel>, #tpu.dimension_semantics<subcore_parallel>], iteration_bounds = array<i64: 2, 16>, scalar_prefetch = 0 : i64, scratch_operands = 4 : i64, tpu.core_type = #tpu.core_type<sc_vector_subcore>, window_params = [{transform_indices = #map}, {transform_indices = #map1}, {transform_indices = #map2}]} {
    %mul3A = arith.constant 2 : i32
    %mul3A_0 = arith.muli %arg1, %mul3A : i32
    %add3A = arith.addi %mul3A_0, %arg0 : i32
    %shift_right_arithmetic3A = arith.constant 2 : i32
    %shift_right_arithmetic3A_1 = arith.shrsi %add3A, %shift_right_arithmetic3A : i32
    %and3A = arith.constant 3 : i32
    %and3A_2 = arith.andi %add3A, %and3A : i32
    %mul3A_3 = arith.constant 784 : i32
    %mul3A_4 = arith.muli %shift_right_arithmetic3A_1, %mul3A_3 : i32
    %mul3A_5 = arith.constant 196 : i32
    %mul3A_6 = arith.muli %and3A_2, %mul3A_5 : i32
    %add3A_7 = arith.addi %mul3A_4, %mul3A_6 : i32
    %and3A_8 = arith.constant 7 : i32
    %and3A_9 = arith.andi %add3A_7, %and3A_8 : i32
    %sub3A = arith.subi %add3A_7, %and3A_9 : i32
    %multiple_of3A = tpu.assume_multiple %sub3A, 8 : i32
    "tpu.region"() ({
      %run_scoped3A_45 = tpu.sem_alloc : memref<!tpu.dma_semaphore, #tpu.memory_space<semaphore_mem>>
      %dma_start3A_46 = tpu.memref_slice %arg2[%multiple_of3A] : memref<6288xi32, #tpu.memory_space<hbm>> -> memref<208xi32, #tpu.memory_space<hbm>>
      %dma_start3A_47 = tpu.memref_slice %arg2[%multiple_of3A] : memref<6288xi32, #tpu.memory_space<hbm>> -> memref<208xi32, #tpu.memory_space<hbm>>
      tpu.enqueue_dma source(%dma_start3A_47 : memref<208xi32, #tpu.memory_space<hbm>>) target(%arg5 : memref<208xi32, #tpu.memory_space<vmem>>) target_semaphore(%run_scoped3A_45 : memref<!tpu.dma_semaphore, #tpu.memory_space<semaphore_mem>>)
      %dma_wait3A_48 = tpu.memref_slice %arg2[%multiple_of3A] : memref<6288xi32, #tpu.memory_space<hbm>> -> memref<208xi32, #tpu.memory_space<hbm>>
      %dma_wait3A_49 = tpu.memref_slice %arg2[%multiple_of3A] : memref<6288xi32, #tpu.memory_space<hbm>> -> memref<208xi32, #tpu.memory_space<hbm>>
      tpu.wait_dma2 semaphore(%run_scoped3A_45 : memref<!tpu.dma_semaphore, #tpu.memory_space<semaphore_mem>>) src(%dma_wait3A_49 : memref<208xi32, #tpu.memory_space<hbm>>) dst(%arg5 : memref<208xi32, #tpu.memory_space<vmem>>)
      tpu.yield
    }) : () -> ()
    %dma_start3A = arith.constant 0 : i32
    %dma_start3A_10 = arith.constant 0 : i32
    %dma_start3A_11 = tpu.memref_slice %arg3[%dma_start3A, %dma_start3A_10] : memref<1024x256xf32, #tpu.memory_space<hbm>> -> memref<1024x256xf32, #tpu.memory_space<hbm>>
    tpu.enqueue_indirect_dma source(%dma_start3A_11 : memref<1024x256xf32, #tpu.memory_space<hbm>>) target(%arg6 : memref<208x256xf32, #tpu.memory_space<vmem>>) offsets(%arg5 : memref<208xi32, #tpu.memory_space<vmem>>) semaphore(%arg8 : memref<!tpu.dma_semaphore, #tpu.memory_space<semaphore_mem>>)
    %dma_wait3A = arith.constant 0 : i32
    %dma_wait3A_12 = arith.constant 0 : i32
    %dma_wait3A_13 = tpu.memref_slice %arg3[%dma_wait3A, %dma_wait3A_12] : memref<1024x256xf32, #tpu.memory_space<hbm>> -> memref<1024x256xf32, #tpu.memory_space<hbm>>
    tpu.wait_indirect_dma semaphore(%arg8 : memref<!tpu.dma_semaphore, #tpu.memory_space<semaphore_mem>>) src(%dma_wait3A_13 : memref<1024x256xf32, #tpu.memory_space<hbm>>) dst(%arg6 : memref<208x256xf32, #tpu.memory_space<vmem>>)
    %iota3A = tpu.iota {dimensions = array<i32: 0>} : vector<16xi32>
    %shift_right_arithmetic3A_14 = arith.constant 3 : i32
    %shift_right_arithmetic3A_15 = vector.broadcast %shift_right_arithmetic3A_14 : i32 to vector<16xi32>
    %shift_right_arithmetic3A_16 = arith.shrsi %iota3A, %shift_right_arithmetic3A_15 : vector<16xi32>
    %and3A_17 = arith.constant 7 : i32
    %and3A_18 = vector.broadcast %and3A_17 : i32 to vector<16xi32>
    %and3A_19 = arith.andi %iota3A, %and3A_18 : vector<16xi32>
    %scan3A = arith.constant 0 : i32
    %scan3A_20 = arith.constant 0 : i32
    %scan3A_21 = arith.constant 56 : i32
    %scan3A_22 = arith.addi %scan3A_20, %scan3A_21 : i32
    %scan3A_23 = arith.constant 1 : i32
    scf.for %scan3A_45 = %scan3A_20 to %scan3A_22 step %scan3A_23  : i32 {
      %shift_right_arithmetic3A_46 = arith.constant 3 : i32
      %shift_right_arithmetic3A_47 = arith.shrsi %scan3A_45, %shift_right_arithmetic3A_46 : i32
      %and3A_48 = arith.constant 7 : i32
      %and3A_49 = arith.andi %scan3A_45, %and3A_48 : i32
      %mul3A_50 = arith.constant 8 : i32
      %mul3A_51 = arith.muli %and3A_49, %mul3A_50 : i32
      %add3A_52 = arith.constant 0 : i32
      %add3A_53 = arith.addi %add3A_52, %mul3A_51 : i32
      %mul3A_54 = arith.constant 28 : i32
      %mul3A_55 = arith.muli %shift_right_arithmetic3A_47, %mul3A_54 : i32
      %add3A_56 = arith.addi %and3A_9, %mul3A_55 : i32
      %add3A_57 = vector.broadcast %add3A_53 : i32 to vector<16xi32>
      %add3A_58 = arith.addi %and3A_19, %add3A_57 : vector<16xi32>
      %add3A_59 = arith.constant 0 : i32
      %add3A_60 = arith.addi %add3A_56, %add3A_59 : i32
      %add3A_61 = vector.broadcast %add3A_60 : i32 to vector<16xi32>
      %add3A_62 = arith.addi %shift_right_arithmetic3A_16, %add3A_61 : vector<16xi32>
      %gather3A = tpu.vector_load_idx %arg6[%add3A_62, %add3A_58] : memref<208x256xf32, #tpu.memory_space<vmem>>[vector<16xi32>, vector<16xi32>], vector<16xf32>,
      %swap3A = arith.constant 0 : i32
      %swap3A_63 = arith.index_cast %swap3A : i32 to index
      %swap3A_64 = arith.index_cast %scan3A_45 : i32 to index
      %swap3A_65 = arith.constant 0 : index
      %swap3A_66 = tpu.vector_load %arg7[%swap3A_63, %swap3A_64, %swap3A_65] {strides = array<i32>} : memref<3x56x224xf32, #tpu.memory_space<vmem>>, vector<16xf32>,
      tpu.vector_store %arg7[%swap3A_63, %swap3A_64, %swap3A_65], %gather3A {strides = array<i32>} : memref<3x56x224xf32, #tpu.memory_space<vmem>>, vector<16xf32>,
      %add3A_67 = arith.constant 2 : i32
      %add3A_68 = arith.addi %add3A_56, %add3A_67 : i32
      %add3A_69 = vector.broadcast %add3A_68 : i32 to vector<16xi32>
      %add3A_70 = arith.addi %shift_right_arithmetic3A_16, %add3A_69 : vector<16xi32>
      %gather3A_71 = tpu.vector_load_idx %arg6[%add3A_70, %add3A_58] : memref<208x256xf32, #tpu.memory_space<vmem>>[vector<16xi32>, vector<16xi32>], vector<16xf32>,
      %swap3A_72 = arith.constant 0 : i32
      %swap3A_73 = arith.index_cast %swap3A_72 : i32 to index
      %swap3A_74 = arith.index_cast %scan3A_45 : i32 to index
      %swap3A_75 = arith.constant 16 : index
      %swap3A_76 = tpu.vector_load %arg7[%swap3A_73, %swap3A_74, %swap3A_75] {strides = array<i32>} : memref<3x56x224xf32, #tpu.memory_space<vmem>>, vector<16xf32>,
      tpu.vector_store %arg7[%swap3A_73, %swap3A_74, %swap3A_75], %gather3A_71 {strides = array<i32>} : memref<3x56x224xf32, #tpu.memory_space<vmem>>, vector<16xf32>,
      %add3A_77 = arith.constant 4 : i32
      %add3A_78 = arith.addi %add3A_56, %add3A_77 : i32
      %add3A_79 = vector.broadcast %add3A_78 : i32 to vector<16xi32>
      %add3A_80 = arith.addi %shift_right_arithmetic3A_16, %add3A_79 : vector<16xi32>
      %gather3A_81 = tpu.vector_load_idx %arg6[%add3A_80, %add3A_58] : memref<208x256xf32, #tpu.memory_space<vmem>>[vector<16xi32>, vector<16xi32>], vector<16xf32>,
      %swap3A_82 = arith.constant 0 : i32
      %swap3A_83 = arith.index_cast %swap3A_82 : i32 to index
      %swap3A_84 = arith.index_cast %scan3A_45 : i32 to index
      %swap3A_85 = arith.constant 32 : index
      %swap3A_86 = tpu.vector_load %arg7[%swap3A_83, %swap3A_84, %swap3A_85] {strides = array<i32>} : memref<3x56x224xf32, #tpu.memory_space<vmem>>, vector<16xf32>,
      tpu.vector_store %arg7[%swap3A_83, %swap3A_84, %swap3A_85], %gather3A_81 {strides = array<i32>} : memref<3x56x224xf32, #tpu.memory_space<vmem>>, vector<16xf32>,
      %add3A_87 = arith.constant 6 : i32
      %add3A_88 = arith.addi %add3A_56, %add3A_87 : i32
      %add3A_89 = vector.broadcast %add3A_88 : i32 to vector<16xi32>
      %add3A_90 = arith.addi %shift_right_arithmetic3A_16, %add3A_89 : vector<16xi32>
      %gather3A_91 = tpu.vector_load_idx %arg6[%add3A_90, %add3A_58] : memref<208x256xf32, #tpu.memory_space<vmem>>[vector<16xi32>, vector<16xi32>], vector<16xf32>,
      %swap3A_92 = arith.constant 0 : i32
      %swap3A_93 = arith.index_cast %swap3A_92 : i32 to index
      %swap3A_94 = arith.index_cast %scan3A_45 : i32 to index
      %swap3A_95 = arith.constant 48 : index
      %swap3A_96 = tpu.vector_load %arg7[%swap3A_93, %swap3A_94, %swap3A_95] {strides = array<i32>} : memref<3x56x224xf32, #tpu.memory_space<vmem>>, vector<16xf32>,
      tpu.vector_store %arg7[%swap3A_93, %swap3A_94, %swap3A_95], %gather3A_91 {strides = array<i32>} : memref<3x56x224xf32, #tpu.memory_space<vmem>>, vector<16xf32>,
      %add3A_97 = arith.constant 8 : i32
      %add3A_98 = arith.addi %add3A_56, %add3A_97 : i32
      %add3A_99 = vector.broadcast %add3A_98 : i32 to vector<16xi32>
      %add3A_100 = arith.addi %shift_right_arithmetic3A_16, %add3A_99 : vector<16xi32>
      %gather3A_101 = tpu.vector_load_idx %arg6[%add3A_100, %add3A_58] : memref<208x256xf32, #tpu.memory_space<vmem>>[vector<16xi32>, vector<16xi32>], vector<16xf32>,
      %swap3A_102 = arith.constant 0 : i32
      %swap3A_103 = arith.index_cast %swap3A_102 : i32 to index
      %swap3A_104 = arith.index_cast %scan3A_45 : i32 to index
      %swap3A_105 = arith.constant 64 : index
      %swap3A_106 = tpu.vector_load %arg7[%swap3A_103, %swap3A_104, %swap3A_105] {strides = array<i32>} : memref<3x56x224xf32, #tpu.memory_space<vmem>>, vector<16xf32>,
      tpu.vector_store %arg7[%swap3A_103, %swap3A_104, %swap3A_105], %gather3A_101 {strides = array<i32>} : memref<3x56x224xf32, #tpu.memory_space<vmem>>, vector<16xf32>,
      %add3A_107 = arith.constant 10 : i32
      %add3A_108 = arith.addi %add3A_56, %add3A_107 : i32
      %add3A_109 = vector.broadcast %add3A_108 : i32 to vector<16xi32>
      %add3A_110 = arith.addi %shift_right_arithmetic3A_16, %add3A_109 : vector<16xi32>
      %gather3A_111 = tpu.vector_load_idx %arg6[%add3A_110, %add3A_58] : memref<208x256xf32, #tpu.memory_space<vmem>>[vector<16xi32>, vector<16xi32>], vector<16xf32>,
      %swap3A_112 = arith.constant 0 : i32
      %swap3A_113 = arith.index_cast %swap3A_112 : i32 to index
      %swap3A_114 = arith.index_cast %scan3A_45 : i32 to index
      %swap3A_115 = arith.constant 80 : index
      %swap3A_116 = tpu.vector_load %arg7[%swap3A_113, %swap3A_114, %swap3A_115] {strides = array<i32>} : memref<3x56x224xf32, #tpu.memory_space<vmem>>, vector<16xf32>,
      tpu.vector_store %arg7[%swap3A_113, %swap3A_114, %swap3A_115], %gather3A_111 {strides = array<i32>} : memref<3x56x224xf32, #tpu.memory_space<vmem>>, vector<16xf32>,
      %add3A_117 = arith.constant 12 : i32
      %add3A_118 = arith.addi %add3A_56, %add3A_117 : i32
      %add3A_119 = vector.broadcast %add3A_118 : i32 to vector<16xi32>
      %add3A_120 = arith.addi %shift_right_arithmetic3A_16, %add3A_119 : vector<16xi32>
      %gather3A_121 = tpu.vector_load_idx %arg6[%add3A_120, %add3A_58] : memref<208x256xf32, #tpu.memory_space<vmem>>[vector<16xi32>, vector<16xi32>], vector<16xf32>,
      %swap3A_122 = arith.constant 0 : i32
      %swap3A_123 = arith.index_cast %swap3A_122 : i32 to index
      %swap3A_124 = arith.index_cast %scan3A_45 : i32 to index
      %swap3A_125 = arith.constant 96 : index
      %swap3A_126 = tpu.vector_load %arg7[%swap3A_123, %swap3A_124, %swap3A_125] {strides = array<i32>} : memref<3x56x224xf32, #tpu.memory_space<vmem>>, vector<16xf32>,
      tpu.vector_store %arg7[%swap3A_123, %swap3A_124, %swap3A_125], %gather3A_121 {strides = array<i32>} : memref<3x56x224xf32, #tpu.memory_space<vmem>>, vector<16xf32>,
      %add3A_127 = arith.constant 14 : i32
      %add3A_128 = arith.addi %add3A_56, %add3A_127 : i32
      %add3A_129 = vector.broadcast %add3A_128 : i32 to vector<16xi32>
      %add3A_130 = arith.addi %shift_right_arithmetic3A_16, %add3A_129 : vector<16xi32>
      %gather3A_131 = tpu.vector_load_idx %arg6[%add3A_130, %add3A_58] : memref<208x256xf32, #tpu.memory_space<vmem>>[vector<16xi32>, vector<16xi32>], vector<16xf32>,
      %swap3A_132 = arith.constant 0 : i32
      %swap3A_133 = arith.index_cast %swap3A_132 : i32 to index
      %swap3A_134 = arith.index_cast %scan3A_45 : i32 to index
      %swap3A_135 = arith.constant 112 : index
      %swap3A_136 = tpu.vector_load %arg7[%swap3A_133, %swap3A_134, %swap3A_135] {strides = array<i32>} : memref<3x56x224xf32, #tpu.memory_space<vmem>>, vector<16xf32>,
      tpu.vector_store %arg7[%swap3A_133, %swap3A_134, %swap3A_135], %gather3A_131 {strides = array<i32>} : memref<3x56x224xf32, #tpu.memory_space<vmem>>, vector<16xf32>,
      %add3A_137 = arith.constant 16 : i32
      %add3A_138 = arith.addi %add3A_56, %add3A_137 : i32
      %add3A_139 = vector.broadcast %add3A_138 : i32 to vector<16xi32>
      %add3A_140 = arith.addi %shift_right_arithmetic3A_16, %add3A_139 : vector<16xi32>
      %gather3A_141 = tpu.vector_load_idx %arg6[%add3A_140, %add3A_58] : memref<208x256xf32, #tpu.memory_space<vmem>>[vector<16xi32>, vector<16xi32>], vector<16xf32>,
      %swap3A_142 = arith.constant 0 : i32
      %swap3A_143 = arith.index_cast %swap3A_142 : i32 to index
      %swap3A_144 = arith.index_cast %scan3A_45 : i32 to index
      %swap3A_145 = arith.constant 128 : index
      %swap3A_146 = tpu.vector_load %arg7[%swap3A_143, %swap3A_144, %swap3A_145] {strides = array<i32>} : memref<3x56x224xf32, #tpu.memory_space<vmem>>, vector<16xf32>,
      tpu.vector_store %arg7[%swap3A_143, %swap3A_144, %swap3A_145], %gather3A_141 {strides = array<i32>} : memref<3x56x224xf32, #tpu.memory_space<vmem>>, vector<16xf32>,
      %add3A_147 = arith.constant 18 : i32
      %add3A_148 = arith.addi %add3A_56, %add3A_147 : i32
      %add3A_149 = vector.broadcast %add3A_148 : i32 to vector<16xi32>
      %add3A_150 = arith.addi %shift_right_arithmetic3A_16, %add3A_149 : vector<16xi32>
      %gather3A_151 = tpu.vector_load_idx %arg6[%add3A_150, %add3A_58] : memref<208x256xf32, #tpu.memory_space<vmem>>[vector<16xi32>, vector<16xi32>], vector<16xf32>,
      %swap3A_152 = arith.constant 0 : i32
      %swap3A_153 = arith.index_cast %swap3A_152 : i32 to index
      %swap3A_154 = arith.index_cast %scan3A_45 : i32 to index
      %swap3A_155 = arith.constant 144 : index
      %swap3A_156 = tpu.vector_load %arg7[%swap3A_153, %swap3A_154, %swap3A_155] {strides = array<i32>} : memref<3x56x224xf32, #tpu.memory_space<vmem>>, vector<16xf32>,
      tpu.vector_store %arg7[%swap3A_153, %swap3A_154, %swap3A_155], %gather3A_151 {strides = array<i32>} : memref<3x56x224xf32, #tpu.memory_space<vmem>>, vector<16xf32>,
      %add3A_157 = arith.constant 20 : i32
      %add3A_158 = arith.addi %add3A_56, %add3A_157 : i32
      %add3A_159 = vector.broadcast %add3A_158 : i32 to vector<16xi32>
      %add3A_160 = arith.addi %shift_right_arithmetic3A_16, %add3A_159 : vector<16xi32>
      %gather3A_161 = tpu.vector_load_idx %arg6[%add3A_160, %add3A_58] : memref<208x256xf32, #tpu.memory_space<vmem>>[vector<16xi32>, vector<16xi32>], vector<16xf32>,
      %swap3A_162 = arith.constant 0 : i32
      %swap3A_163 = arith.index_cast %swap3A_162 : i32 to index
      %swap3A_164 = arith.index_cast %scan3A_45 : i32 to index
      %swap3A_165 = arith.constant 160 : index
      %swap3A_166 = tpu.vector_load %arg7[%swap3A_163, %swap3A_164, %swap3A_165] {strides = array<i32>} : memref<3x56x224xf32, #tpu.memory_space<vmem>>, vector<16xf32>,
      tpu.vector_store %arg7[%swap3A_163, %swap3A_164, %swap3A_165], %gather3A_161 {strides = array<i32>} : memref<3x56x224xf32, #tpu.memory_space<vmem>>, vector<16xf32>,
      %add3A_167 = arith.constant 22 : i32
      %add3A_168 = arith.addi %add3A_56, %add3A_167 : i32
      %add3A_169 = vector.broadcast %add3A_168 : i32 to vector<16xi32>
      %add3A_170 = arith.addi %shift_right_arithmetic3A_16, %add3A_169 : vector<16xi32>
      %gather3A_171 = tpu.vector_load_idx %arg6[%add3A_170, %add3A_58] : memref<208x256xf32, #tpu.memory_space<vmem>>[vector<16xi32>, vector<16xi32>], vector<16xf32>,
      %swap3A_172 = arith.constant 0 : i32
      %swap3A_173 = arith.index_cast %swap3A_172 : i32 to index
      %swap3A_174 = arith.index_cast %scan3A_45 : i32 to index
      %swap3A_175 = arith.constant 176 : index
      %swap3A_176 = tpu.vector_load %arg7[%swap3A_173, %swap3A_174, %swap3A_175] {strides = array<i32>} : memref<3x56x224xf32, #tpu.memory_space<vmem>>, vector<16xf32>,
      tpu.vector_store %arg7[%swap3A_173, %swap3A_174, %swap3A_175], %gather3A_171 {strides = array<i32>} : memref<3x56x224xf32, #tpu.memory_space<vmem>>, vector<16xf32>,
      %add3A_177 = arith.constant 24 : i32
      %add3A_178 = arith.addi %add3A_56, %add3A_177 : i32
      %add3A_179 = vector.broadcast %add3A_178 : i32 to vector<16xi32>
      %add3A_180 = arith.addi %shift_right_arithmetic3A_16, %add3A_179 : vector<16xi32>
      %gather3A_181 = tpu.vector_load_idx %arg6[%add3A_180, %add3A_58] : memref<208x256xf32, #tpu.memory_space<vmem>>[vector<16xi32>, vector<16xi32>], vector<16xf32>,
      %swap3A_182 = arith.constant 0 : i32
      %swap3A_183 = arith.index_cast %swap3A_182 : i32 to index
      %swap3A_184 = arith.index_cast %scan3A_45 : i32 to index
      %swap3A_185 = arith.constant 192 : index
      %swap3A_186 = tpu.vector_load %arg7[%swap3A_183, %swap3A_184, %swap3A_185] {strides = array<i32>} : memref<3x56x224xf32, #tpu.memory_space<vmem>>, vector<16xf32>,
      tpu.vector_store %arg7[%swap3A_183, %swap3A_184, %swap3A_185], %gather3A_181 {strides = array<i32>} : memref<3x56x224xf32, #tpu.memory_space<vmem>>, vector<16xf32>,
      %add3A_187 = arith.constant 26 : i32
      %add3A_188 = arith.addi %add3A_56, %add3A_187 : i32
      %add3A_189 = vector.broadcast %add3A_188 : i32 to vector<16xi32>
      %add3A_190 = arith.addi %shift_right_arithmetic3A_16, %add3A_189 : vector<16xi32>
      %gather3A_191 = tpu.vector_load_idx %arg6[%add3A_190, %add3A_58] : memref<208x256xf32, #tpu.memory_space<vmem>>[vector<16xi32>, vector<16xi32>], vector<16xf32>,
      %swap3A_192 = arith.constant 0 : i32
      %swap3A_193 = arith.index_cast %swap3A_192 : i32 to index
      %swap3A_194 = arith.index_cast %scan3A_45 : i32 to index
      %swap3A_195 = arith.constant 208 : index
      %swap3A_196 = tpu.vector_load %arg7[%swap3A_193, %swap3A_194, %swap3A_195] {strides = array<i32>} : memref<3x56x224xf32, #tpu.memory_space<vmem>>, vector<16xf32>,
      tpu.vector_store %arg7[%swap3A_193, %swap3A_194, %swap3A_195], %gather3A_191 {strides = array<i32>} : memref<3x56x224xf32, #tpu.memory_space<vmem>>, vector<16xf32>,
    }
    %scan3A_24 = arith.constant 56 : i32
    %scan3A_25 = arith.constant 0 : i32
    %scan3A_26 = arith.constant 0 : i32
    %scan3A_27 = arith.constant 56 : i32
    %scan3A_28 = arith.addi %scan3A_26, %scan3A_27 : i32
    %scan3A_29 = arith.constant 1 : i32
    scf.for %scan3A_45 = %scan3A_26 to %scan3A_28 step %scan3A_29  : i32 {
      %shift_right_arithmetic3A_46 = arith.constant 3 : i32
      %shift_right_arithmetic3A_47 = arith.shrsi %scan3A_45, %shift_right_arithmetic3A_46 : i32
      %and3A_48 = arith.constant 7 : i32
      %and3A_49 = arith.andi %scan3A_45, %and3A_48 : i32
      %mul3A_50 = arith.constant 8 : i32
      %mul3A_51 = arith.muli %and3A_49, %mul3A_50 : i32
      %add3A_52 = arith.constant 64 : i32
      %add3A_53 = arith.addi %add3A_52, %mul3A_51 : i32
      %mul3A_54 = arith.constant 28 : i32
      %mul3A_55 = arith.muli %shift_right_arithmetic3A_47, %mul3A_54 : i32
      %add3A_56 = arith.addi %and3A_9, %mul3A_55 : i32
      %add3A_57 = vector.broadcast %add3A_53 : i32 to vector<16xi32>
      %add3A_58 = arith.addi %and3A_19, %add3A_57 : vector<16xi32>
      %add3A_59 = arith.constant 0 : i32
      %add3A_60 = arith.addi %add3A_56, %add3A_59 : i32
      %add3A_61 = vector.broadcast %add3A_60 : i32 to vector<16xi32>
      %add3A_62 = arith.addi %shift_right_arithmetic3A_16, %add3A_61 : vector<16xi32>
      %gather3A = tpu.vector_load_idx %arg6[%add3A_62, %add3A_58] : memref<208x256xf32, #tpu.memory_space<vmem>>[vector<16xi32>, vector<16xi32>], vector<16xf32>,
      %swap3A = arith.constant 1 : i32
      %swap3A_63 = arith.index_cast %swap3A : i32 to index
      %swap3A_64 = arith.index_cast %scan3A_45 : i32 to index
      %swap3A_65 = arith.constant 0 : index
      %swap3A_66 = tpu.vector_load %arg7[%swap3A_63, %swap3A_64, %swap3A_65] {strides = array<i32>} : memref<3x56x224xf32, #tpu.memory_space<vmem>>, vector<16xf32>,
      tpu.vector_store %arg7[%swap3A_63, %swap3A_64, %swap3A_65], %gather3A {strides = array<i32>} : memref<3x56x224xf32, #tpu.memory_space<vmem>>, vector<16xf32>,
      %add3A_67 = arith.constant 2 : i32
      %add3A_68 = arith.addi %add3A_56, %add3A_67 : i32
      %add3A_69 = vector.broadcast %add3A_68 : i32 to vector<16xi32>
      %add3A_70 = arith.addi %shift_right_arithmetic3A_16, %add3A_69 : vector<16xi32>
      %gather3A_71 = tpu.vector_load_idx %arg6[%add3A_70, %add3A_58] : memref<208x256xf32, #tpu.memory_space<vmem>>[vector<16xi32>, vector<16xi32>], vector<16xf32>,
      %swap3A_72 = arith.constant 1 : i32
      %swap3A_73 = arith.index_cast %swap3A_72 : i32 to index
      %swap3A_74 = arith.index_cast %scan3A_45 : i32 to index
      %swap3A_75 = arith.constant 16 : index
      %swap3A_76 = tpu.vector_load %arg7[%swap3A_73, %swap3A_74, %swap3A_75] {strides = array<i32>} : memref<3x56x224xf32, #tpu.memory_space<vmem>>, vector<16xf32>,
      tpu.vector_store %arg7[%swap3A_73, %swap3A_74, %swap3A_75], %gather3A_71 {strides = array<i32>} : memref<3x56x224xf32, #tpu.memory_space<vmem>>, vector<16xf32>,
      %add3A_77 = arith.constant 4 : i32
      %add3A_78 = arith.addi %add3A_56, %add3A_77 : i32
      %add3A_79 = vector.broadcast %add3A_78 : i32 to vector<16xi32>
      %add3A_80 = arith.addi %shift_right_arithmetic3A_16, %add3A_79 : vector<16xi32>
      %gather3A_81 = tpu.vector_load_idx %arg6[%add3A_80, %add3A_58] : memref<208x256xf32, #tpu.memory_space<vmem>>[vector<16xi32>, vector<16xi32>], vector<16xf32>,
      %swap3A_82 = arith.constant 1 : i32
      %swap3A_83 = arith.index_cast %swap3A_82 : i32 to index
      %swap3A_84 = arith.index_cast %scan3A_45 : i32 to index
      %swap3A_85 = arith.constant 32 : index
      %swap3A_86 = tpu.vector_load %arg7[%swap3A_83, %swap3A_84, %swap3A_85] {strides = array<i32>} : memref<3x56x224xf32, #tpu.memory_space<vmem>>, vector<16xf32>,
      tpu.vector_store %arg7[%swap3A_83, %swap3A_84, %swap3A_85], %gather3A_81 {strides = array<i32>} : memref<3x56x224xf32, #tpu.memory_space<vmem>>, vector<16xf32>,
      %add3A_87 = arith.constant 6 : i32
      %add3A_88 = arith.addi %add3A_56, %add3A_87 : i32
      %add3A_89 = vector.broadcast %add3A_88 : i32 to vector<16xi32>
      %add3A_90 = arith.addi %shift_right_arithmetic3A_16, %add3A_89 : vector<16xi32>
      %gather3A_91 = tpu.vector_load_idx %arg6[%add3A_90, %add3A_58] : memref<208x256xf32, #tpu.memory_space<vmem>>[vector<16xi32>, vector<16xi32>], vector<16xf32>,
      %swap3A_92 = arith.constant 1 : i32
      %swap3A_93 = arith.index_cast %swap3A_92 : i32 to index
      %swap3A_94 = arith.index_cast %scan3A_45 : i32 to index
      %swap3A_95 = arith.constant 48 : index
      %swap3A_96 = tpu.vector_load %arg7[%swap3A_93, %swap3A_94, %swap3A_95] {strides = array<i32>} : memref<3x56x224xf32, #tpu.memory_space<vmem>>, vector<16xf32>,
      tpu.vector_store %arg7[%swap3A_93, %swap3A_94, %swap3A_95], %gather3A_91 {strides = array<i32>} : memref<3x56x224xf32, #tpu.memory_space<vmem>>, vector<16xf32>,
      %add3A_97 = arith.constant 8 : i32
      %add3A_98 = arith.addi %add3A_56, %add3A_97 : i32
      %add3A_99 = vector.broadcast %add3A_98 : i32 to vector<16xi32>
      %add3A_100 = arith.addi %shift_right_arithmetic3A_16, %add3A_99 : vector<16xi32>
      %gather3A_101 = tpu.vector_load_idx %arg6[%add3A_100, %add3A_58] : memref<208x256xf32, #tpu.memory_space<vmem>>[vector<16xi32>, vector<16xi32>], vector<16xf32>,
      %swap3A_102 = arith.constant 1 : i32
      %swap3A_103 = arith.index_cast %swap3A_102 : i32 to index
      %swap3A_104 = arith.index_cast %scan3A_45 : i32 to index
      %swap3A_105 = arith.constant 64 : index
      %swap3A_106 = tpu.vector_load %arg7[%swap3A_103, %swap3A_104, %swap3A_105] {strides = array<i32>} : memref<3x56x224xf32, #tpu.memory_space<vmem>>, vector<16xf32>,
      tpu.vector_store %arg7[%swap3A_103, %swap3A_104, %swap3A_105], %gather3A_101 {strides = array<i32>} : memref<3x56x224xf32, #tpu.memory_space<vmem>>, vector<16xf32>,
      %add3A_107 = arith.constant 10 : i32
      %add3A_108 = arith.addi %add3A_56, %add3A_107 : i32
      %add3A_109 = vector.broadcast %add3A_108 : i32 to vector<16xi32>
      %add3A_110 = arith.addi %shift_right_arithmetic3A_16, %add3A_109 : vector<16xi32>
      %gather3A_111 = tpu.vector_load_idx %arg6[%add3A_110, %add3A_58] : memref<208x256xf32, #tpu.memory_space<vmem>>[vector<16xi32>, vector<16xi32>], vector<16xf32>,
      %swap3A_112 = arith.constant 1 : i32
      %swap3A_113 = arith.index_cast %swap3A_112 : i32 to index
      %swap3A_114 = arith.index_cast %scan3A_45 : i32 to index
      %swap3A_115 = arith.constant 80 : index
      %swap3A_116 = tpu.vector_load %arg7[%swap3A_113, %swap3A_114, %swap3A_115] {strides = array<i32>} : memref<3x56x224xf32, #tpu.memory_space<vmem>>, vector<16xf32>,
      tpu.vector_store %arg7[%swap3A_113, %swap3A_114, %swap3A_115], %gather3A_111 {strides = array<i32>} : memref<3x56x224xf32, #tpu.memory_space<vmem>>, vector<16xf32>,
      %add3A_117 = arith.constant 12 : i32
      %add3A_118 = arith.addi %add3A_56, %add3A_117 : i32
      %add3A_119 = vector.broadcast %add3A_118 : i32 to vector<16xi32>
      %add3A_120 = arith.addi %shift_right_arithmetic3A_16, %add3A_119 : vector<16xi32>
      %gather3A_121 = tpu.vector_load_idx %arg6[%add3A_120, %add3A_58] : memref<208x256xf32, #tpu.memory_space<vmem>>[vector<16xi32>, vector<16xi32>], vector<16xf32>,
      %swap3A_122 = arith.constant 1 : i32
      %swap3A_123 = arith.index_cast %swap3A_122 : i32 to index
      %swap3A_124 = arith.index_cast %scan3A_45 : i32 to index
      %swap3A_125 = arith.constant 96 : index
      %swap3A_126 = tpu.vector_load %arg7[%swap3A_123, %swap3A_124, %swap3A_125] {strides = array<i32>} : memref<3x56x224xf32, #tpu.memory_space<vmem>>, vector<16xf32>,
      tpu.vector_store %arg7[%swap3A_123, %swap3A_124, %swap3A_125], %gather3A_121 {strides = array<i32>} : memref<3x56x224xf32, #tpu.memory_space<vmem>>, vector<16xf32>,
      %add3A_127 = arith.constant 14 : i32
      %add3A_128 = arith.addi %add3A_56, %add3A_127 : i32
      %add3A_129 = vector.broadcast %add3A_128 : i32 to vector<16xi32>
      %add3A_130 = arith.addi %shift_right_arithmetic3A_16, %add3A_129 : vector<16xi32>
      %gather3A_131 = tpu.vector_load_idx %arg6[%add3A_130, %add3A_58] : memref<208x256xf32, #tpu.memory_space<vmem>>[vector<16xi32>, vector<16xi32>], vector<16xf32>,
      %swap3A_132 = arith.constant 1 : i32
      %swap3A_133 = arith.index_cast %swap3A_132 : i32 to index
      %swap3A_134 = arith.index_cast %scan3A_45 : i32 to index
      %swap3A_135 = arith.constant 112 : index
      %swap3A_136 = tpu.vector_load %arg7[%swap3A_133, %swap3A_134, %swap3A_135] {strides = array<i32>} : memref<3x56x224xf32, #tpu.memory_space<vmem>>, vector<16xf32>,
      tpu.vector_store %arg7[%swap3A_133, %swap3A_134, %swap3A_135], %gather3A_131 {strides = array<i32>} : memref<3x56x224xf32, #tpu.memory_space<vmem>>, vector<16xf32>,
      %add3A_137 = arith.constant 16 : i32
      %add3A_138 = arith.addi %add3A_56, %add3A_137 : i32
      %add3A_139 = vector.broadcast %add3A_138 : i32 to vector<16xi32>
      %add3A_140 = arith.addi %shift_right_arithmetic3A_16, %add3A_139 : vector<16xi32>
      %gather3A_141 = tpu.vector_load_idx %arg6[%add3A_140, %add3A_58] : memref<208x256xf32, #tpu.memory_space<vmem>>[vector<16xi32>, vector<16xi32>], vector<16xf32>,
      %swap3A_142 = arith.constant 1 : i32
      %swap3A_143 = arith.index_cast %swap3A_142 : i32 to index
      %swap3A_144 = arith.index_cast %scan3A_45 : i32 to index
      %swap3A_145 = arith.constant 128 : index
      %swap3A_146 = tpu.vector_load %arg7[%swap3A_143, %swap3A_144, %swap3A_145] {strides = array<i32>} : memref<3x56x224xf32, #tpu.memory_space<vmem>>, vector<16xf32>,
      tpu.vector_store %arg7[%swap3A_143, %swap3A_144, %swap3A_145], %gather3A_141 {strides = array<i32>} : memref<3x56x224xf32, #tpu.memory_space<vmem>>, vector<16xf32>,
      %add3A_147 = arith.constant 18 : i32
      %add3A_148 = arith.addi %add3A_56, %add3A_147 : i32
      %add3A_149 = vector.broadcast %add3A_148 : i32 to vector<16xi32>
      %add3A_150 = arith.addi %shift_right_arithmetic3A_16, %add3A_149 : vector<16xi32>
      %gather3A_151 = tpu.vector_load_idx %arg6[%add3A_150, %add3A_58] : memref<208x256xf32, #tpu.memory_space<vmem>>[vector<16xi32>, vector<16xi32>], vector<16xf32>,
      %swap3A_152 = arith.constant 1 : i32
      %swap3A_153 = arith.index_cast %swap3A_152 : i32 to index
      %swap3A_154 = arith.index_cast %scan3A_45 : i32 to index
      %swap3A_155 = arith.constant 144 : index
      %swap3A_156 = tpu.vector_load %arg7[%swap3A_153, %swap3A_154, %swap3A_155] {strides = array<i32>} : memref<3x56x224xf32, #tpu.memory_space<vmem>>, vector<16xf32>,
      tpu.vector_store %arg7[%swap3A_153, %swap3A_154, %swap3A_155], %gather3A_151 {strides = array<i32>} : memref<3x56x224xf32, #tpu.memory_space<vmem>>, vector<16xf32>,
      %add3A_157 = arith.constant 20 : i32
      %add3A_158 = arith.addi %add3A_56, %add3A_157 : i32
      %add3A_159 = vector.broadcast %add3A_158 : i32 to vector<16xi32>
      %add3A_160 = arith.addi %shift_right_arithmetic3A_16, %add3A_159 : vector<16xi32>
      %gather3A_161 = tpu.vector_load_idx %arg6[%add3A_160, %add3A_58] : memref<208x256xf32, #tpu.memory_space<vmem>>[vector<16xi32>, vector<16xi32>], vector<16xf32>,
      %swap3A_162 = arith.constant 1 : i32
      %swap3A_163 = arith.index_cast %swap3A_162 : i32 to index
      %swap3A_164 = arith.index_cast %scan3A_45 : i32 to index
      %swap3A_165 = arith.constant 160 : index
      %swap3A_166 = tpu.vector_load %arg7[%swap3A_163, %swap3A_164, %swap3A_165] {strides = array<i32>} : memref<3x56x224xf32, #tpu.memory_space<vmem>>, vector<16xf32>,
      tpu.vector_store %arg7[%swap3A_163, %swap3A_164, %swap3A_165], %gather3A_161 {strides = array<i32>} : memref<3x56x224xf32, #tpu.memory_space<vmem>>, vector<16xf32>,
      %add3A_167 = arith.constant 22 : i32
      %add3A_168 = arith.addi %add3A_56, %add3A_167 : i32
      %add3A_169 = vector.broadcast %add3A_168 : i32 to vector<16xi32>
      %add3A_170 = arith.addi %shift_right_arithmetic3A_16, %add3A_169 : vector<16xi32>
      %gather3A_171 = tpu.vector_load_idx %arg6[%add3A_170, %add3A_58] : memref<208x256xf32, #tpu.memory_space<vmem>>[vector<16xi32>, vector<16xi32>], vector<16xf32>,
      %swap3A_172 = arith.constant 1 : i32
      %swap3A_173 = arith.index_cast %swap3A_172 : i32 to index
      %swap3A_174 = arith.index_cast %scan3A_45 : i32 to index
      %swap3A_175 = arith.constant 176 : index
      %swap3A_176 = tpu.vector_load %arg7[%swap3A_173, %swap3A_174, %swap3A_175] {strides = array<i32>} : memref<3x56x224xf32, #tpu.memory_space<vmem>>, vector<16xf32>,
      tpu.vector_store %arg7[%swap3A_173, %swap3A_174, %swap3A_175], %gather3A_171 {strides = array<i32>} : memref<3x56x224xf32, #tpu.memory_space<vmem>>, vector<16xf32>,
      %add3A_177 = arith.constant 24 : i32
      %add3A_178 = arith.addi %add3A_56, %add3A_177 : i32
      %add3A_179 = vector.broadcast %add3A_178 : i32 to vector<16xi32>
      %add3A_180 = arith.addi %shift_right_arithmetic3A_16, %add3A_179 : vector<16xi32>
      %gather3A_181 = tpu.vector_load_idx %arg6[%add3A_180, %add3A_58] : memref<208x256xf32, #tpu.memory_space<vmem>>[vector<16xi32>, vector<16xi32>], vector<16xf32>,
      %swap3A_182 = arith.constant 1 : i32
      %swap3A_183 = arith.index_cast %swap3A_182 : i32 to index
      %swap3A_184 = arith.index_cast %scan3A_45 : i32 to index
      %swap3A_185 = arith.constant 192 : index
      %swap3A_186 = tpu.vector_load %arg7[%swap3A_183, %swap3A_184, %swap3A_185] {strides = array<i32>} : memref<3x56x224xf32, #tpu.memory_space<vmem>>, vector<16xf32>,
      tpu.vector_store %arg7[%swap3A_183, %swap3A_184, %swap3A_185], %gather3A_181 {strides = array<i32>} : memref<3x56x224xf32, #tpu.memory_space<vmem>>, vector<16xf32>,
      %add3A_187 = arith.constant 26 : i32
      %add3A_188 = arith.addi %add3A_56, %add3A_187 : i32
      %add3A_189 = vector.broadcast %add3A_188 : i32 to vector<16xi32>
      %add3A_190 = arith.addi %shift_right_arithmetic3A_16, %add3A_189 : vector<16xi32>
      %gather3A_191 = tpu.vector_load_idx %arg6[%add3A_190, %add3A_58] : memref<208x256xf32, #tpu.memory_space<vmem>>[vector<16xi32>, vector<16xi32>], vector<16xf32>,
      %swap3A_192 = arith.constant 1 : i32
      %swap3A_193 = arith.index_cast %swap3A_192 : i32 to index
      %swap3A_194 = arith.index_cast %scan3A_45 : i32 to index
      %swap3A_195 = arith.constant 208 : index
      %swap3A_196 = tpu.vector_load %arg7[%swap3A_193, %swap3A_194, %swap3A_195] {strides = array<i32>} : memref<3x56x224xf32, #tpu.memory_space<vmem>>, vector<16xf32>,
      tpu.vector_store %arg7[%swap3A_193, %swap3A_194, %swap3A_195], %gather3A_191 {strides = array<i32>} : memref<3x56x224xf32, #tpu.memory_space<vmem>>, vector<16xf32>,
    }
    %scan3A_30 = arith.constant 56 : i32
    %scan3A_31 = arith.constant 0 : i32
    %scan3A_32 = arith.constant 0 : i32
    %scan3A_33 = arith.constant 56 : i32
    %scan3A_34 = arith.addi %scan3A_32, %scan3A_33 : i32
    %scan3A_35 = arith.constant 1 : i32
    scf.for %scan3A_45 = %scan3A_32 to %scan3A_34 step %scan3A_35  : i32 {
      %shift_right_arithmetic3A_46 = arith.constant 3 : i32
      %shift_right_arithmetic3A_47 = arith.shrsi %scan3A_45, %shift_right_arithmetic3A_46 : i32
      %and3A_48 = arith.constant 7 : i32
      %and3A_49 = arith.andi %scan3A_45, %and3A_48 : i32
      %mul3A_50 = arith.constant 8 : i32
      %mul3A_51 = arith.muli %and3A_49, %mul3A_50 : i32
      %add3A_52 = arith.constant 128 : i32
      %add3A_53 = arith.addi %add3A_52, %mul3A_51 : i32
      %mul3A_54 = arith.constant 28 : i32
      %mul3A_55 = arith.muli %shift_right_arithmetic3A_47, %mul3A_54 : i32
      %add3A_56 = arith.addi %and3A_9, %mul3A_55 : i32
      %add3A_57 = vector.broadcast %add3A_53 : i32 to vector<16xi32>
      %add3A_58 = arith.addi %and3A_19, %add3A_57 : vector<16xi32>
      %add3A_59 = arith.constant 0 : i32
      %add3A_60 = arith.addi %add3A_56, %add3A_59 : i32
      %add3A_61 = vector.broadcast %add3A_60 : i32 to vector<16xi32>
      %add3A_62 = arith.addi %shift_right_arithmetic3A_16, %add3A_61 : vector<16xi32>
      %gather3A = tpu.vector_load_idx %arg6[%add3A_62, %add3A_58] : memref<208x256xf32, #tpu.memory_space<vmem>>[vector<16xi32>, vector<16xi32>], vector<16xf32>,
      %swap3A = arith.constant 2 : i32
      %swap3A_63 = arith.index_cast %swap3A : i32 to index
      %swap3A_64 = arith.index_cast %scan3A_45 : i32 to index
      %swap3A_65 = arith.constant 0 : index
      %swap3A_66 = tpu.vector_load %arg7[%swap3A_63, %swap3A_64, %swap3A_65] {strides = array<i32>} : memref<3x56x224xf32, #tpu.memory_space<vmem>>, vector<16xf32>,
      tpu.vector_store %arg7[%swap3A_63, %swap3A_64, %swap3A_65], %gather3A {strides = array<i32>} : memref<3x56x224xf32, #tpu.memory_space<vmem>>, vector<16xf32>,
      %add3A_67 = arith.constant 2 : i32
      %add3A_68 = arith.addi %add3A_56, %add3A_67 : i32
      %add3A_69 = vector.broadcast %add3A_68 : i32 to vector<16xi32>
      %add3A_70 = arith.addi %shift_right_arithmetic3A_16, %add3A_69 : vector<16xi32>
      %gather3A_71 = tpu.vector_load_idx %arg6[%add3A_70, %add3A_58] : memref<208x256xf32, #tpu.memory_space<vmem>>[vector<16xi32>, vector<16xi32>], vector<16xf32>,
      %swap3A_72 = arith.constant 2 : i32
      %swap3A_73 = arith.index_cast %swap3A_72 : i32 to index
      %swap3A_74 = arith.index_cast %scan3A_45 : i32 to index
      %swap3A_75 = arith.constant 16 : index
      %swap3A_76 = tpu.vector_load %arg7[%swap3A_73, %swap3A_74, %swap3A_75] {strides = array<i32>} : memref<3x56x224xf32, #tpu.memory_space<vmem>>, vector<16xf32>,
      tpu.vector_store %arg7[%swap3A_73, %swap3A_74, %swap3A_75], %gather3A_71 {strides = array<i32>} : memref<3x56x224xf32, #tpu.memory_space<vmem>>, vector<16xf32>,
      %add3A_77 = arith.constant 4 : i32
      %add3A_78 = arith.addi %add3A_56, %add3A_77 : i32
      %add3A_79 = vector.broadcast %add3A_78 : i32 to vector<16xi32>
      %add3A_80 = arith.addi %shift_right_arithmetic3A_16, %add3A_79 : vector<16xi32>
      %gather3A_81 = tpu.vector_load_idx %arg6[%add3A_80, %add3A_58] : memref<208x256xf32, #tpu.memory_space<vmem>>[vector<16xi32>, vector<16xi32>], vector<16xf32>,
      %swap3A_82 = arith.constant 2 : i32
      %swap3A_83 = arith.index_cast %swap3A_82 : i32 to index
      %swap3A_84 = arith.index_cast %scan3A_45 : i32 to index
      %swap3A_85 = arith.constant 32 : index
      %swap3A_86 = tpu.vector_load %arg7[%swap3A_83, %swap3A_84, %swap3A_85] {strides = array<i32>} : memref<3x56x224xf32, #tpu.memory_space<vmem>>, vector<16xf32>,
      tpu.vector_store %arg7[%swap3A_83, %swap3A_84, %swap3A_85], %gather3A_81 {strides = array<i32>} : memref<3x56x224xf32, #tpu.memory_space<vmem>>, vector<16xf32>,
      %add3A_87 = arith.constant 6 : i32
      %add3A_88 = arith.addi %add3A_56, %add3A_87 : i32
      %add3A_89 = vector.broadcast %add3A_88 : i32 to vector<16xi32>
      %add3A_90 = arith.addi %shift_right_arithmetic3A_16, %add3A_89 : vector<16xi32>
      %gather3A_91 = tpu.vector_load_idx %arg6[%add3A_90, %add3A_58] : memref<208x256xf32, #tpu.memory_space<vmem>>[vector<16xi32>, vector<16xi32>], vector<16xf32>,
      %swap3A_92 = arith.constant 2 : i32
      %swap3A_93 = arith.index_cast %swap3A_92 : i32 to index
      %swap3A_94 = arith.index_cast %scan3A_45 : i32 to index
      %swap3A_95 = arith.constant 48 : index
      %swap3A_96 = tpu.vector_load %arg7[%swap3A_93, %swap3A_94, %swap3A_95] {strides = array<i32>} : memref<3x56x224xf32, #tpu.memory_space<vmem>>, vector<16xf32>,
      tpu.vector_store %arg7[%swap3A_93, %swap3A_94, %swap3A_95], %gather3A_91 {strides = array<i32>} : memref<3x56x224xf32, #tpu.memory_space<vmem>>, vector<16xf32>,
      %add3A_97 = arith.constant 8 : i32
      %add3A_98 = arith.addi %add3A_56, %add3A_97 : i32
      %add3A_99 = vector.broadcast %add3A_98 : i32 to vector<16xi32>
      %add3A_100 = arith.addi %shift_right_arithmetic3A_16, %add3A_99 : vector<16xi32>
      %gather3A_101 = tpu.vector_load_idx %arg6[%add3A_100, %add3A_58] : memref<208x256xf32, #tpu.memory_space<vmem>>[vector<16xi32>, vector<16xi32>], vector<16xf32>,
      %swap3A_102 = arith.constant 2 : i32
      %swap3A_103 = arith.index_cast %swap3A_102 : i32 to index
      %swap3A_104 = arith.index_cast %scan3A_45 : i32 to index
      %swap3A_105 = arith.constant 64 : index
      %swap3A_106 = tpu.vector_load %arg7[%swap3A_103, %swap3A_104, %swap3A_105] {strides = array<i32>} : memref<3x56x224xf32, #tpu.memory_space<vmem>>, vector<16xf32>,
      tpu.vector_store %arg7[%swap3A_103, %swap3A_104, %swap3A_105], %gather3A_101 {strides = array<i32>} : memref<3x56x224xf32, #tpu.memory_space<vmem>>, vector<16xf32>,
      %add3A_107 = arith.constant 10 : i32
      %add3A_108 = arith.addi %add3A_56, %add3A_107 : i32
      %add3A_109 = vector.broadcast %add3A_108 : i32 to vector<16xi32>
      %add3A_110 = arith.addi %shift_right_arithmetic3A_16, %add3A_109 : vector<16xi32>
      %gather3A_111 = tpu.vector_load_idx %arg6[%add3A_110, %add3A_58] : memref<208x256xf32, #tpu.memory_space<vmem>>[vector<16xi32>, vector<16xi32>], vector<16xf32>,
      %swap3A_112 = arith.constant 2 : i32
      %swap3A_113 = arith.index_cast %swap3A_112 : i32 to index
      %swap3A_114 = arith.index_cast %scan3A_45 : i32 to index
      %swap3A_115 = arith.constant 80 : index
      %swap3A_116 = tpu.vector_load %arg7[%swap3A_113, %swap3A_114, %swap3A_115] {strides = array<i32>} : memref<3x56x224xf32, #tpu.memory_space<vmem>>, vector<16xf32>,
      tpu.vector_store %arg7[%swap3A_113, %swap3A_114, %swap3A_115], %gather3A_111 {strides = array<i32>} : memref<3x56x224xf32, #tpu.memory_space<vmem>>, vector<16xf32>,
      %add3A_117 = arith.constant 12 : i32
      %add3A_118 = arith.addi %add3A_56, %add3A_117 : i32
      %add3A_119 = vector.broadcast %add3A_118 : i32 to vector<16xi32>
      %add3A_120 = arith.addi %shift_right_arithmetic3A_16, %add3A_119 : vector<16xi32>
      %gather3A_121 = tpu.vector_load_idx %arg6[%add3A_120, %add3A_58] : memref<208x256xf32, #tpu.memory_space<vmem>>[vector<16xi32>, vector<16xi32>], vector<16xf32>,
      %swap3A_122 = arith.constant 2 : i32
      %swap3A_123 = arith.index_cast %swap3A_122 : i32 to index
      %swap3A_124 = arith.index_cast %scan3A_45 : i32 to index
      %swap3A_125 = arith.constant 96 : index
      %swap3A_126 = tpu.vector_load %arg7[%swap3A_123, %swap3A_124, %swap3A_125] {strides = array<i32>} : memref<3x56x224xf32, #tpu.memory_space<vmem>>, vector<16xf32>,
      tpu.vector_store %arg7[%swap3A_123, %swap3A_124, %swap3A_125], %gather3A_121 {strides = array<i32>} : memref<3x56x224xf32, #tpu.memory_space<vmem>>, vector<16xf32>,
      %add3A_127 = arith.constant 14 : i32
      %add3A_128 = arith.addi %add3A_56, %add3A_127 : i32
      %add3A_129 = vector.broadcast %add3A_128 : i32 to vector<16xi32>
      %add3A_130 = arith.addi %shift_right_arithmetic3A_16, %add3A_129 : vector<16xi32>
      %gather3A_131 = tpu.vector_load_idx %arg6[%add3A_130, %add3A_58] : memref<208x256xf32, #tpu.memory_space<vmem>>[vector<16xi32>, vector<16xi32>], vector<16xf32>,
      %swap3A_132 = arith.constant 2 : i32
      %swap3A_133 = arith.index_cast %swap3A_132 : i32 to index
      %swap3A_134 = arith.index_cast %scan3A_45 : i32 to index
      %swap3A_135 = arith.constant 112 : index
      %swap3A_136 = tpu.vector_load %arg7[%swap3A_133, %swap3A_134, %swap3A_135] {strides = array<i32>} : memref<3x56x224xf32, #tpu.memory_space<vmem>>, vector<16xf32>,
      tpu.vector_store %arg7[%swap3A_133, %swap3A_134, %swap3A_135], %gather3A_131 {strides = array<i32>} : memref<3x56x224xf32, #tpu.memory_space<vmem>>, vector<16xf32>,
      %add3A_137 = arith.constant 16 : i32
      %add3A_138 = arith.addi %add3A_56, %add3A_137 : i32
      %add3A_139 = vector.broadcast %add3A_138 : i32 to vector<16xi32>
      %add3A_140 = arith.addi %shift_right_arithmetic3A_16, %add3A_139 : vector<16xi32>
      %gather3A_141 = tpu.vector_load_idx %arg6[%add3A_140, %add3A_58] : memref<208x256xf32, #tpu.memory_space<vmem>>[vector<16xi32>, vector<16xi32>], vector<16xf32>,
      %swap3A_142 = arith.constant 2 : i32
      %swap3A_143 = arith.index_cast %swap3A_142 : i32 to index
      %swap3A_144 = arith.index_cast %scan3A_45 : i32 to index
      %swap3A_145 = arith.constant 128 : index
      %swap3A_146 = tpu.vector_load %arg7[%swap3A_143, %swap3A_144, %swap3A_145] {strides = array<i32>} : memref<3x56x224xf32, #tpu.memory_space<vmem>>, vector<16xf32>,
      tpu.vector_store %arg7[%swap3A_143, %swap3A_144, %swap3A_145], %gather3A_141 {strides = array<i32>} : memref<3x56x224xf32, #tpu.memory_space<vmem>>, vector<16xf32>,
      %add3A_147 = arith.constant 18 : i32
      %add3A_148 = arith.addi %add3A_56, %add3A_147 : i32
      %add3A_149 = vector.broadcast %add3A_148 : i32 to vector<16xi32>
      %add3A_150 = arith.addi %shift_right_arithmetic3A_16, %add3A_149 : vector<16xi32>
      %gather3A_151 = tpu.vector_load_idx %arg6[%add3A_150, %add3A_58] : memref<208x256xf32, #tpu.memory_space<vmem>>[vector<16xi32>, vector<16xi32>], vector<16xf32>,
      %swap3A_152 = arith.constant 2 : i32
      %swap3A_153 = arith.index_cast %swap3A_152 : i32 to index
      %swap3A_154 = arith.index_cast %scan3A_45 : i32 to index
      %swap3A_155 = arith.constant 144 : index
      %swap3A_156 = tpu.vector_load %arg7[%swap3A_153, %swap3A_154, %swap3A_155] {strides = array<i32>} : memref<3x56x224xf32, #tpu.memory_space<vmem>>, vector<16xf32>,
      tpu.vector_store %arg7[%swap3A_153, %swap3A_154, %swap3A_155], %gather3A_151 {strides = array<i32>} : memref<3x56x224xf32, #tpu.memory_space<vmem>>, vector<16xf32>,
      %add3A_157 = arith.constant 20 : i32
      %add3A_158 = arith.addi %add3A_56, %add3A_157 : i32
      %add3A_159 = vector.broadcast %add3A_158 : i32 to vector<16xi32>
      %add3A_160 = arith.addi %shift_right_arithmetic3A_16, %add3A_159 : vector<16xi32>
      %gather3A_161 = tpu.vector_load_idx %arg6[%add3A_160, %add3A_58] : memref<208x256xf32, #tpu.memory_space<vmem>>[vector<16xi32>, vector<16xi32>], vector<16xf32>,
      %swap3A_162 = arith.constant 2 : i32
      %swap3A_163 = arith.index_cast %swap3A_162 : i32 to index
      %swap3A_164 = arith.index_cast %scan3A_45 : i32 to index
      %swap3A_165 = arith.constant 160 : index
      %swap3A_166 = tpu.vector_load %arg7[%swap3A_163, %swap3A_164, %swap3A_165] {strides = array<i32>} : memref<3x56x224xf32, #tpu.memory_space<vmem>>, vector<16xf32>,
      tpu.vector_store %arg7[%swap3A_163, %swap3A_164, %swap3A_165], %gather3A_161 {strides = array<i32>} : memref<3x56x224xf32, #tpu.memory_space<vmem>>, vector<16xf32>,
      %add3A_167 = arith.constant 22 : i32
      %add3A_168 = arith.addi %add3A_56, %add3A_167 : i32
      %add3A_169 = vector.broadcast %add3A_168 : i32 to vector<16xi32>
      %add3A_170 = arith.addi %shift_right_arithmetic3A_16, %add3A_169 : vector<16xi32>
      %gather3A_171 = tpu.vector_load_idx %arg6[%add3A_170, %add3A_58] : memref<208x256xf32, #tpu.memory_space<vmem>>[vector<16xi32>, vector<16xi32>], vector<16xf32>,
      %swap3A_172 = arith.constant 2 : i32
      %swap3A_173 = arith.index_cast %swap3A_172 : i32 to index
      %swap3A_174 = arith.index_cast %scan3A_45 : i32 to index
      %swap3A_175 = arith.constant 176 : index
      %swap3A_176 = tpu.vector_load %arg7[%swap3A_173, %swap3A_174, %swap3A_175] {strides = array<i32>} : memref<3x56x224xf32, #tpu.memory_space<vmem>>, vector<16xf32>,
      tpu.vector_store %arg7[%swap3A_173, %swap3A_174, %swap3A_175], %gather3A_171 {strides = array<i32>} : memref<3x56x224xf32, #tpu.memory_space<vmem>>, vector<16xf32>,
      %add3A_177 = arith.constant 24 : i32
      %add3A_178 = arith.addi %add3A_56, %add3A_177 : i32
      %add3A_179 = vector.broadcast %add3A_178 : i32 to vector<16xi32>
      %add3A_180 = arith.addi %shift_right_arithmetic3A_16, %add3A_179 : vector<16xi32>
      %gather3A_181 = tpu.vector_load_idx %arg6[%add3A_180, %add3A_58] : memref<208x256xf32, #tpu.memory_space<vmem>>[vector<16xi32>, vector<16xi32>], vector<16xf32>,
      %swap3A_182 = arith.constant 2 : i32
      %swap3A_183 = arith.index_cast %swap3A_182 : i32 to index
      %swap3A_184 = arith.index_cast %scan3A_45 : i32 to index
      %swap3A_185 = arith.constant 192 : index
      %swap3A_186 = tpu.vector_load %arg7[%swap3A_183, %swap3A_184, %swap3A_185] {strides = array<i32>} : memref<3x56x224xf32, #tpu.memory_space<vmem>>, vector<16xf32>,
      tpu.vector_store %arg7[%swap3A_183, %swap3A_184, %swap3A_185], %gather3A_181 {strides = array<i32>} : memref<3x56x224xf32, #tpu.memory_space<vmem>>, vector<16xf32>,
      %add3A_187 = arith.constant 26 : i32
      %add3A_188 = arith.addi %add3A_56, %add3A_187 : i32
      %add3A_189 = vector.broadcast %add3A_188 : i32 to vector<16xi32>
      %add3A_190 = arith.addi %shift_right_arithmetic3A_16, %add3A_189 : vector<16xi32>
      %gather3A_191 = tpu.vector_load_idx %arg6[%add3A_190, %add3A_58] : memref<208x256xf32, #tpu.memory_space<vmem>>[vector<16xi32>, vector<16xi32>], vector<16xf32>,
      %swap3A_192 = arith.constant 2 : i32
      %swap3A_193 = arith.index_cast %swap3A_192 : i32 to index
      %swap3A_194 = arith.index_cast %scan3A_45 : i32 to index
      %swap3A_195 = arith.constant 208 : index
      %swap3A_196 = tpu.vector_load %arg7[%swap3A_193, %swap3A_194, %swap3A_195] {strides = array<i32>} : memref<3x56x224xf32, #tpu.memory_space<vmem>>, vector<16xf32>,
      tpu.vector_store %arg7[%swap3A_193, %swap3A_194, %swap3A_195], %gather3A_191 {strides = array<i32>} : memref<3x56x224xf32, #tpu.memory_space<vmem>>, vector<16xf32>,
    }
    %scan3A_36 = arith.constant 56 : i32
    %mul3A_37 = arith.constant 56 : i32
    %mul3A_38 = arith.muli %and3A_2, %mul3A_37 : i32
    %multiple_of3A_39 = tpu.assume_multiple %mul3A_38, 8 : i32
    %run_scoped3A = arith.constant 0 : i32
    %run_scoped3A_40 = arith.constant 0 : i32
    "tpu.region"() ({
      %run_scoped3A_45 = tpu.sem_alloc : memref<!tpu.dma_semaphore, #tpu.memory_space<semaphore_mem>>
      %dma_start3A_46 = arith.constant 0 : i32
      %dma_start3A_47 = arith.constant 0 : i32
      %dma_start3A_48 = tpu.memref_slice %arg7[%run_scoped3A, %dma_start3A_46, %dma_start3A_47] : memref<3x56x224xf32, #tpu.memory_space<vmem>> -> memref<1x56x224xf32, #tpu.memory_space<vmem>>
      %dma_start3A_49 = tpu.memref_squeeze %dma_start3A_48 : memref<1x56x224xf32, #tpu.memory_space<vmem>> -> memref<56x224xf32, #tpu.memory_space<vmem>>
      %dma_start3A_50 = arith.constant 0 : i32
      %dma_start3A_51 = tpu.memref_slice %arg4[%shift_right_arithmetic3A_1, %run_scoped3A_40, %multiple_of3A_39, %dma_start3A_50] : memref<8x3x224x224xf32, #tpu.memory_space<hbm>> -> memref<1x1x56x224xf32, #tpu.memory_space<hbm>>
      %dma_start3A_52 = tpu.memref_squeeze %dma_start3A_51 : memref<1x1x56x224xf32, #tpu.memory_space<hbm>> -> memref<56x224xf32, #tpu.memory_space<hbm>>
      %dma_start3A_53 = arith.constant 0 : i32
      %dma_start3A_54 = tpu.memref_slice %arg4[%shift_right_arithmetic3A_1, %run_scoped3A_40, %multiple_of3A_39, %dma_start3A_53] : memref<8x3x224x224xf32, #tpu.memory_space<hbm>> -> memref<1x1x56x224xf32, #tpu.memory_space<hbm>>
      %dma_start3A_55 = tpu.memref_squeeze %dma_start3A_54 : memref<1x1x56x224xf32, #tpu.memory_space<hbm>> -> memref<56x224xf32, #tpu.memory_space<hbm>>
      %dma_start3A_56 = arith.constant 0 : i32
      %dma_start3A_57 = arith.constant 0 : i32
      %dma_start3A_58 = tpu.memref_slice %arg7[%run_scoped3A, %dma_start3A_56, %dma_start3A_57] : memref<3x56x224xf32, #tpu.memory_space<vmem>> -> memref<1x56x224xf32, #tpu.memory_space<vmem>>
      %dma_start3A_59 = tpu.memref_squeeze %dma_start3A_58 : memref<1x56x224xf32, #tpu.memory_space<vmem>> -> memref<56x224xf32, #tpu.memory_space<vmem>>
      tpu.enqueue_dma source(%dma_start3A_59 : memref<56x224xf32, #tpu.memory_space<vmem>>) target(%dma_start3A_55 : memref<56x224xf32, #tpu.memory_space<hbm>>) target_semaphore(%run_scoped3A_45 : memref<!tpu.dma_semaphore, #tpu.memory_space<semaphore_mem>>)
      %dma_wait3A_60 = arith.constant 0 : i32
      %dma_wait3A_61 = arith.constant 0 : i32
      %dma_wait3A_62 = tpu.memref_slice %arg7[%run_scoped3A, %dma_wait3A_60, %dma_wait3A_61] : memref<3x56x224xf32, #tpu.memory_space<vmem>> -> memref<1x56x224xf32, #tpu.memory_space<vmem>>
      %dma_wait3A_63 = tpu.memref_squeeze %dma_wait3A_62 : memref<1x56x224xf32, #tpu.memory_space<vmem>> -> memref<56x224xf32, #tpu.memory_space<vmem>>
      %dma_wait3A_64 = arith.constant 0 : i32
      %dma_wait3A_65 = tpu.memref_slice %arg4[%shift_right_arithmetic3A_1, %run_scoped3A_40, %multiple_of3A_39, %dma_wait3A_64] : memref<8x3x224x224xf32, #tpu.memory_space<hbm>> -> memref<1x1x56x224xf32, #tpu.memory_space<hbm>>
      %dma_wait3A_66 = tpu.memref_squeeze %dma_wait3A_65 : memref<1x1x56x224xf32, #tpu.memory_space<hbm>> -> memref<56x224xf32, #tpu.memory_space<hbm>>
      %dma_wait3A_67 = arith.constant 0 : i32
      %dma_wait3A_68 = tpu.memref_slice %arg4[%shift_right_arithmetic3A_1, %run_scoped3A_40, %multiple_of3A_39, %dma_wait3A_67] : memref<8x3x224x224xf32, #tpu.memory_space<hbm>> -> memref<1x1x56x224xf32, #tpu.memory_space<hbm>>
      %dma_wait3A_69 = tpu.memref_squeeze %dma_wait3A_68 : memref<1x1x56x224xf32, #tpu.memory_space<hbm>> -> memref<56x224xf32, #tpu.memory_space<hbm>>
      %dma_wait3A_70 = arith.constant 0 : i32
      %dma_wait3A_71 = arith.constant 0 : i32
      %dma_wait3A_72 = tpu.memref_slice %arg7[%run_scoped3A, %dma_wait3A_70, %dma_wait3A_71] : memref<3x56x224xf32, #tpu.memory_space<vmem>> -> memref<1x56x224xf32, #tpu.memory_space<vmem>>
      %dma_wait3A_73 = tpu.memref_squeeze %dma_wait3A_72 : memref<1x56x224xf32, #tpu.memory_space<vmem>> -> memref<56x224xf32, #tpu.memory_space<vmem>>
      tpu.wait_dma2 semaphore(%run_scoped3A_45 : memref<!tpu.dma_semaphore, #tpu.memory_space<semaphore_mem>>) src(%dma_wait3A_73 : memref<56x224xf32, #tpu.memory_space<vmem>>) dst(%dma_wait3A_69 : memref<56x224xf32, #tpu.memory_space<hbm>>)
      tpu.yield
    }) : () -> ()
    %run_scoped3A_41 = arith.constant 1 : i32
    %run_scoped3A_42 = arith.constant 1 : i32
    "tpu.region"() ({
      %run_scoped3A_45 = tpu.sem_alloc : memref<!tpu.dma_semaphore, #tpu.memory_space<semaphore_mem>>
      %dma_start3A_46 = arith.constant 0 : i32
      %dma_start3A_47 = arith.constant 0 : i32
      %dma_start3A_48 = tpu.memref_slice %arg7[%run_scoped3A_41, %dma_start3A_46, %dma_start3A_47] : memref<3x56x224xf32, #tpu.memory_space<vmem>> -> memref<1x56x224xf32, #tpu.memory_space<vmem>>
      %dma_start3A_49 = tpu.memref_squeeze %dma_start3A_48 : memref<1x56x224xf32, #tpu.memory_space<vmem>> -> memref<56x224xf32, #tpu.memory_space<vmem>>
      %dma_start3A_50 = arith.constant 0 : i32
      %dma_start3A_51 = tpu.memref_slice %arg4[%shift_right_arithmetic3A_1, %run_scoped3A_42, %multiple_of3A_39, %dma_start3A_50] : memref<8x3x224x224xf32, #tpu.memory_space<hbm>> -> memref<1x1x56x224xf32, #tpu.memory_space<hbm>>
      %dma_start3A_52 = tpu.memref_squeeze %dma_start3A_51 : memref<1x1x56x224xf32, #tpu.memory_space<hbm>> -> memref<56x224xf32, #tpu.memory_space<hbm>>
      %dma_start3A_53 = arith.constant 0 : i32
      %dma_start3A_54 = tpu.memref_slice %arg4[%shift_right_arithmetic3A_1, %run_scoped3A_42, %multiple_of3A_39, %dma_start3A_53] : memref<8x3x224x224xf32, #tpu.memory_space<hbm>> -> memref<1x1x56x224xf32, #tpu.memory_space<hbm>>
      %dma_start3A_55 = tpu.memref_squeeze %dma_start3A_54 : memref<1x1x56x224xf32, #tpu.memory_space<hbm>> -> memref<56x224xf32, #tpu.memory_space<hbm>>
      %dma_start3A_56 = arith.constant 0 : i32
      %dma_start3A_57 = arith.constant 0 : i32
      %dma_start3A_58 = tpu.memref_slice %arg7[%run_scoped3A_41, %dma_start3A_56, %dma_start3A_57] : memref<3x56x224xf32, #tpu.memory_space<vmem>> -> memref<1x56x224xf32, #tpu.memory_space<vmem>>
      %dma_start3A_59 = tpu.memref_squeeze %dma_start3A_58 : memref<1x56x224xf32, #tpu.memory_space<vmem>> -> memref<56x224xf32, #tpu.memory_space<vmem>>
      tpu.enqueue_dma source(%dma_start3A_59 : memref<56x224xf32, #tpu.memory_space<vmem>>) target(%dma_start3A_55 : memref<56x224xf32, #tpu.memory_space<hbm>>) target_semaphore(%run_scoped3A_45 : memref<!tpu.dma_semaphore, #tpu.memory_space<semaphore_mem>>)
      %dma_wait3A_60 = arith.constant 0 : i32
      %dma_wait3A_61 = arith.constant 0 : i32
      %dma_wait3A_62 = tpu.memref_slice %arg7[%run_scoped3A_41, %dma_wait3A_60, %dma_wait3A_61] : memref<3x56x224xf32, #tpu.memory_space<vmem>> -> memref<1x56x224xf32, #tpu.memory_space<vmem>>
      %dma_wait3A_63 = tpu.memref_squeeze %dma_wait3A_62 : memref<1x56x224xf32, #tpu.memory_space<vmem>> -> memref<56x224xf32, #tpu.memory_space<vmem>>
      %dma_wait3A_64 = arith.constant 0 : i32
      %dma_wait3A_65 = tpu.memref_slice %arg4[%shift_right_arithmetic3A_1, %run_scoped3A_42, %multiple_of3A_39, %dma_wait3A_64] : memref<8x3x224x224xf32, #tpu.memory_space<hbm>> -> memref<1x1x56x224xf32, #tpu.memory_space<hbm>>
      %dma_wait3A_66 = tpu.memref_squeeze %dma_wait3A_65 : memref<1x1x56x224xf32, #tpu.memory_space<hbm>> -> memref<56x224xf32, #tpu.memory_space<hbm>>
      %dma_wait3A_67 = arith.constant 0 : i32
      %dma_wait3A_68 = tpu.memref_slice %arg4[%shift_right_arithmetic3A_1, %run_scoped3A_42, %multiple_of3A_39, %dma_wait3A_67] : memref<8x3x224x224xf32, #tpu.memory_space<hbm>> -> memref<1x1x56x224xf32, #tpu.memory_space<hbm>>
      %dma_wait3A_69 = tpu.memref_squeeze %dma_wait3A_68 : memref<1x1x56x224xf32, #tpu.memory_space<hbm>> -> memref<56x224xf32, #tpu.memory_space<hbm>>
      %dma_wait3A_70 = arith.constant 0 : i32
      %dma_wait3A_71 = arith.constant 0 : i32
      %dma_wait3A_72 = tpu.memref_slice %arg7[%run_scoped3A_41, %dma_wait3A_70, %dma_wait3A_71] : memref<3x56x224xf32, #tpu.memory_space<vmem>> -> memref<1x56x224xf32, #tpu.memory_space<vmem>>
      %dma_wait3A_73 = tpu.memref_squeeze %dma_wait3A_72 : memref<1x56x224xf32, #tpu.memory_space<vmem>> -> memref<56x224xf32, #tpu.memory_space<vmem>>
      tpu.wait_dma2 semaphore(%run_scoped3A_45 : memref<!tpu.dma_semaphore, #tpu.memory_space<semaphore_mem>>) src(%dma_wait3A_73 : memref<56x224xf32, #tpu.memory_space<vmem>>) dst(%dma_wait3A_69 : memref<56x224xf32, #tpu.memory_space<hbm>>)
      tpu.yield
    }) : () -> ()
    %run_scoped3A_43 = arith.constant 2 : i32
    %run_scoped3A_44 = arith.constant 2 : i32
    "tpu.region"() ({
      %run_scoped3A_45 = tpu.sem_alloc : memref<!tpu.dma_semaphore, #tpu.memory_space<semaphore_mem>>
      %dma_start3A_46 = arith.constant 0 : i32
      %dma_start3A_47 = arith.constant 0 : i32
      %dma_start3A_48 = tpu.memref_slice %arg7[%run_scoped3A_43, %dma_start3A_46, %dma_start3A_47] : memref<3x56x224xf32, #tpu.memory_space<vmem>> -> memref<1x56x224xf32, #tpu.memory_space<vmem>>
      %dma_start3A_49 = tpu.memref_squeeze %dma_start3A_48 : memref<1x56x224xf32, #tpu.memory_space<vmem>> -> memref<56x224xf32, #tpu.memory_space<vmem>>
      %dma_start3A_50 = arith.constant 0 : i32
      %dma_start3A_51 = tpu.memref_slice %arg4[%shift_right_arithmetic3A_1, %run_scoped3A_44, %multiple_of3A_39, %dma_start3A_50] : memref<8x3x224x224xf32, #tpu.memory_space<hbm>> -> memref<1x1x56x224xf32, #tpu.memory_space<hbm>>
      %dma_start3A_52 = tpu.memref_squeeze %dma_start3A_51 : memref<1x1x56x224xf32, #tpu.memory_space<hbm>> -> memref<56x224xf32, #tpu.memory_space<hbm>>
      %dma_start3A_53 = arith.constant 0 : i32
      %dma_start3A_54 = tpu.memref_slice %arg4[%shift_right_arithmetic3A_1, %run_scoped3A_44, %multiple_of3A_39, %dma_start3A_53] : memref<8x3x224x224xf32, #tpu.memory_space<hbm>> -> memref<1x1x56x224xf32, #tpu.memory_space<hbm>>
      %dma_start3A_55 = tpu.memref_squeeze %dma_start3A_54 : memref<1x1x56x224xf32, #tpu.memory_space<hbm>> -> memref<56x224xf32, #tpu.memory_space<hbm>>
      %dma_start3A_56 = arith.constant 0 : i32
      %dma_start3A_57 = arith.constant 0 : i32
      %dma_start3A_58 = tpu.memref_slice %arg7[%run_scoped3A_43, %dma_start3A_56, %dma_start3A_57] : memref<3x56x224xf32, #tpu.memory_space<vmem>> -> memref<1x56x224xf32, #tpu.memory_space<vmem>>
      %dma_start3A_59 = tpu.memref_squeeze %dma_start3A_58 : memref<1x56x224xf32, #tpu.memory_space<vmem>> -> memref<56x224xf32, #tpu.memory_space<vmem>>
      tpu.enqueue_dma source(%dma_start3A_59 : memref<56x224xf32, #tpu.memory_space<vmem>>) target(%dma_start3A_55 : memref<56x224xf32, #tpu.memory_space<hbm>>) target_semaphore(%run_scoped3A_45 : memref<!tpu.dma_semaphore, #tpu.memory_space<semaphore_mem>>)
      %dma_wait3A_60 = arith.constant 0 : i32
      %dma_wait3A_61 = arith.constant 0 : i32
      %dma_wait3A_62 = tpu.memref_slice %arg7[%run_scoped3A_43, %dma_wait3A_60, %dma_wait3A_61] : memref<3x56x224xf32, #tpu.memory_space<vmem>> -> memref<1x56x224xf32, #tpu.memory_space<vmem>>
      %dma_wait3A_63 = tpu.memref_squeeze %dma_wait3A_62 : memref<1x56x224xf32, #tpu.memory_space<vmem>> -> memref<56x224xf32, #tpu.memory_space<vmem>>
      %dma_wait3A_64 = arith.constant 0 : i32
      %dma_wait3A_65 = tpu.memref_slice %arg4[%shift_right_arithmetic3A_1, %run_scoped3A_44, %multiple_of3A_39, %dma_wait3A_64] : memref<8x3x224x224xf32, #tpu.memory_space<hbm>> -> memref<1x1x56x224xf32, #tpu.memory_space<hbm>>
      %dma_wait3A_66 = tpu.memref_squeeze %dma_wait3A_65 : memref<1x1x56x224xf32, #tpu.memory_space<hbm>> -> memref<56x224xf32, #tpu.memory_space<hbm>>
      %dma_wait3A_67 = arith.constant 0 : i32
      %dma_wait3A_68 = tpu.memref_slice %arg4[%shift_right_arithmetic3A_1, %run_scoped3A_44, %multiple_of3A_39, %dma_wait3A_67] : memref<8x3x224x224xf32, #tpu.memory_space<hbm>> -> memref<1x1x56x224xf32, #tpu.memory_space<hbm>>
      %dma_wait3A_69 = tpu.memref_squeeze %dma_wait3A_68 : memref<1x1x56x224xf32, #tpu.memory_space<hbm>> -> memref<56x224xf32, #tpu.memory_space<hbm>>
      %dma_wait3A_70 = arith.constant 0 : i32
      %dma_wait3A_71 = arith.constant 0 : i32
      %dma_wait3A_72 = tpu.memref_slice %arg7[%run_scoped3A_43, %dma_wait3A_70, %dma_wait3A_71] : memref<3x56x224xf32, #tpu.memory_space<vmem>> -> memref<1x56x224xf32, #tpu.memory_space<vmem>>
      %dma_wait3A_73 = tpu.memref_squeeze %dma_wait3A_72 : memref<1x56x224xf32, #tpu.memory_space<vmem>> -> memref<56x224xf32, #tpu.memory_space<vmem>>
      tpu.wait_dma2 semaphore(%run_scoped3A_45 : memref<!tpu.dma_semaphore, #tpu.memory_space<semaphore_mem>>) src(%dma_wait3A_73 : memref<56x224xf32, #tpu.memory_space<vmem>>) dst(%dma_wait3A_69 : memref<56x224xf32, #tpu.memory_space<hbm>>)
      tpu.yield
    }) : () -> ()
    return
  }
}

module attributes {stable_mosaic.version = 14 : i64} {
  func.func @_precompute_body(%arg0: memref<1024x256xf32, #tpu.memory_space<vmem>>, %arg1: memref<256x256xf32, #tpu.memory_space<vmem>>, %arg2: memref<256x192xf32, #tpu.memory_space<vmem>>, %arg3: memref<1x256xf32, #tpu.memory_space<vmem>>, %arg4: memref<1x192xf32, #tpu.memory_space<vmem>>, %arg5: memref<1x1024xf32, #tpu.memory_space<vmem>>, %arg6: memref<1024x256xbf16, #tpu.memory_space<vmem>>, %arg7: memref<1024x256xf32, #tpu.memory_space<vmem>>) attributes {dimension_semantics = [], scalar_prefetch = 0 : i64, scratch_operands = 0 : i64, tpu.core_type = #tpu.core_type<tc>} {
    %get3A = arith.constant 0 : index
    %get3A_0 = arith.constant 0 : index
    %get3A_1 = vector.load %arg1[%get3A, %get3A_0] : memref<256x256xf32, #tpu.memory_space<vmem>>, vector<256x256xf32>
    %get3A_2 = arith.constant 0 : index
    %get3A_3 = arith.constant 0 : index
    %get3A_4 = vector.load %arg2[%get3A_2, %get3A_3] : memref<256x192xf32, #tpu.memory_space<vmem>>, vector<256x192xf32>
    %dot_general3A = arith.constant dense<0.000000e+00> : vector<256x192xf32>
    %dot_general3A_5 = tpu.matmul %get3A_1, %get3A_4, %dot_general3A {dimension_numbers = #tpu.dot_dimension_numbers<[1], [0], [0], [1], [0, 0, 1, 1], [], []>, precision = #tpu.contract_precision<fp32>, transpose_lhs_hint = false} : vector<256x256xf32>, vector<256x192xf32>, vector<256x192xf32> -> vector<256x192xf32>
    %get3A_6 = arith.constant 0 : index
    %get3A_7 = arith.constant 0 : index
    %get3A_8 = vector.load %arg3[%get3A_6, %get3A_7] : memref<1x256xf32, #tpu.memory_space<vmem>>, vector<1x256xf32>
    %get3A_9 = arith.constant 0 : index
    %get3A_10 = arith.constant 0 : index
    %get3A_11 = vector.load %arg2[%get3A_9, %get3A_10] : memref<256x192xf32, #tpu.memory_space<vmem>>, vector<256x192xf32>
    %dot_general3A_12 = arith.constant dense<0.000000e+00> : vector<1x192xf32>
    %dot_general3A_13 = tpu.matmul %get3A_8, %get3A_11, %dot_general3A_12 {dimension_numbers = #tpu.dot_dimension_numbers<[1], [0], [0], [1], [0, 0, 1, 1], [], []>, precision = #tpu.contract_precision<fp32>, transpose_lhs_hint = false} : vector<1x256xf32>, vector<256x192xf32>, vector<1x192xf32> -> vector<1x192xf32>
    %get3A_14 = arith.constant 0 : index
    %get3A_15 = arith.constant 0 : index
    %get3A_16 = vector.load %arg4[%get3A_14, %get3A_15] : memref<1x192xf32, #tpu.memory_space<vmem>>, vector<1x192xf32>
    %add3A = arith.addf %dot_general3A_13, %get3A_16 : vector<1x192xf32>
    %get3A_17 = arith.constant 0 : index
    %get3A_18 = arith.constant 0 : index
    %get3A_19 = vector.load %arg0[%get3A_17, %get3A_18] : memref<1024x256xf32, #tpu.memory_space<vmem>>, vector<1024x256xf32>
    %dot_general3A_20 = arith.constant dense<0.000000e+00> : vector<1024x192xf32>
    %dot_general3A_21 = tpu.matmul %get3A_19, %dot_general3A_5, %dot_general3A_20 {dimension_numbers = #tpu.dot_dimension_numbers<[1], [0], [0], [1], [0, 0, 1, 1], [], []>, precision = #tpu.contract_precision<fp32>, transpose_lhs_hint = false} : vector<1024x256xf32>, vector<256x192xf32>, vector<1024x192xf32> -> vector<1024x192xf32>
    %add3A_22 = vector.broadcast %add3A : vector<1x192xf32> to vector<1024x192xf32>
    %add3A_23 = arith.addf %dot_general3A_21, %add3A_22 : vector<1024x192xf32>
    %swap3A = arith.constant 0 : index
    %swap3A_24 = arith.constant 0 : index
    %swap3A_25 = vector.load %arg7[%swap3A, %swap3A_24] : memref<1024x256xf32, #tpu.memory_space<vmem>>, vector<1024x192xf32>
    tpu.vector_store %arg7[%swap3A, %swap3A_24], %add3A_23 {strides = array<i32>} : memref<1024x256xf32, #tpu.memory_space<vmem>>, vector<1024x192xf32>,
    %broadcast_in_dim3A = arith.constant 0.000000e+00 : f32
    %broadcast_in_dim3A_26 = vector.broadcast %broadcast_in_dim3A : f32 to vector<1024x64xf32>
    %swap3A_27 = arith.constant 0 : index
    %swap3A_28 = arith.constant 192 : index
    %swap3A_29 = vector.load %arg7[%swap3A_27, %swap3A_28] : memref<1024x256xf32, #tpu.memory_space<vmem>>, vector<1024x64xf32>
    tpu.vector_store %arg7[%swap3A_27, %swap3A_28], %broadcast_in_dim3A_26 {strides = array<i32>} : memref<1024x256xf32, #tpu.memory_space<vmem>>, vector<1024x64xf32>,
    %mul3A = arith.mulf %get3A_19, %get3A_19 : vector<1024x256xf32>
    %reduce_sum3A = arith.constant dense<0.000000e+00> : vector<1024xf32>
    %reduce_sum3A_30 = vector.multi_reduction <add>, %mul3A, %reduce_sum3A [1] : vector<1024x256xf32> to vector<1024xf32>
    %swap3A_31 = arith.constant 0 : index
    %swap3A_32 = arith.constant 0 : index
    %swap3A_33 = vector.load %arg5[%swap3A_31, %swap3A_32] : memref<1x1024xf32, #tpu.memory_space<vmem>>, vector<1x1024xf32>
    %swap3A_34 = vector.shape_cast %swap3A_33 : vector<1x1024xf32> to vector<1024xf32>
    %swap3A_35 = vector.shape_cast %reduce_sum3A_30 : vector<1024xf32> to vector<1x1024xf32>
    tpu.vector_store %arg5[%swap3A_31, %swap3A_32], %swap3A_35 {strides = array<i32>} : memref<1x1024xf32, #tpu.memory_space<vmem>>, vector<1x1024xf32>,
    %convert_element_type3A = arith.truncf %get3A_19 : vector<1024x256xf32> to vector<1024x256xbf16>
    %swap3A_36 = arith.constant 0 : index
    %swap3A_37 = arith.constant 0 : index
    %swap3A_38 = vector.load %arg6[%swap3A_36, %swap3A_37] : memref<1024x256xbf16, #tpu.memory_space<vmem>>, vector<1024x256xbf16>
    tpu.vector_store %arg6[%swap3A_36, %swap3A_37], %convert_element_type3A {strides = array<i32>} : memref<1024x256xbf16, #tpu.memory_space<vmem>>, vector<1024x256xbf16>,
    return
  }
}

module attributes {stable_mosaic.version = 14 : i64} {
  func.func @_main_body(%arg0: i32, %arg1: memref<784x192xbf16, #tpu.memory_space<vmem>>, %arg2: memref<192x256xbf16, #tpu.memory_space<vmem>>, %arg3: memref<1x256xf32, #tpu.memory_space<vmem>>, %arg4: memref<256x256xbf16, #tpu.memory_space<vmem>>, %arg5: memref<1x256xf32, #tpu.memory_space<vmem>>, %arg6: memref<256x1024xbf16, #tpu.memory_space<vmem>>, %arg7: memref<1x1024xf32, #tpu.memory_space<vmem>>, %arg8: memref<1024x256xbf16, #tpu.memory_space<vmem>>, %arg9: memref<1x256x784xf32, #tpu.memory_space<vmem>>, %arg10: memref<1x256x784xf32, #tpu.memory_space<vmem>>, %arg11: memref<1x1x784xi32, #tpu.memory_space<vmem>>) attributes {dimension_semantics = [#tpu.dimension_semantics<arbitrary>], iteration_bounds = array<i64: 8>, scalar_prefetch = 0 : i64, scratch_operands = 0 : i64, tpu.core_type = #tpu.core_type<tc>, window_params = [{transform_indices = @transform_0, window_bounds = array<i64: 784, 192>}, {pipeline_mode = #tpu.pipeline_mode<synchronous>, transform_indices = @transform_1, window_bounds = array<i64: 192, 256>}, {pipeline_mode = #tpu.pipeline_mode<synchronous>, transform_indices = @transform_2, window_bounds = array<i64: 1, 256>}, {pipeline_mode = #tpu.pipeline_mode<synchronous>, transform_indices = @transform_3, window_bounds = array<i64: 256, 256>}, {pipeline_mode = #tpu.pipeline_mode<synchronous>, transform_indices = @transform_4, window_bounds = array<i64: 1, 256>}, {pipeline_mode = #tpu.pipeline_mode<synchronous>, transform_indices = @transform_5, window_bounds = array<i64: 256, 1024>}, {pipeline_mode = #tpu.pipeline_mode<synchronous>, transform_indices = @transform_6, window_bounds = array<i64: 1, 1024>}, {pipeline_mode = #tpu.pipeline_mode<synchronous>, transform_indices = @transform_7, window_bounds = array<i64: 1024, 256>}, {transform_indices = @transform_8, window_bounds = array<i64: 1, 256, 784>}, {transform_indices = @transform_9, window_bounds = array<i64: 1, 256, 784>}, {transform_indices = @transform_10, window_bounds = array<i64: 1, 1, 784>}]} {
    %get3A = arith.constant 0 : index
    %get3A_0 = arith.constant 0 : index
    %get3A_1 = vector.load %arg1[%get3A, %get3A_0] : memref<784x192xbf16, #tpu.memory_space<vmem>>, vector<784x192xbf16>
    %get3A_2 = arith.constant 0 : index
    %get3A_3 = arith.constant 0 : index
    %get3A_4 = vector.load %arg2[%get3A_2, %get3A_3] : memref<192x256xbf16, #tpu.memory_space<vmem>>, vector<192x256xbf16>
    %dot_general3A = arith.constant dense<0.000000e+00> : vector<784x256xf32>
    %dot_general3A_5 = tpu.matmul %get3A_1, %get3A_4, %dot_general3A {dimension_numbers = #tpu.dot_dimension_numbers<[1], [0], [0], [1], [0, 0, 1, 1], [], []>, transpose_lhs_hint = false} : vector<784x192xbf16>, vector<192x256xbf16>, vector<784x256xf32> -> vector<784x256xf32>
    %get3A_6 = arith.constant 0 : index
    %get3A_7 = arith.constant 0 : index
    %get3A_8 = vector.load %arg3[%get3A_6, %get3A_7] : memref<1x256xf32, #tpu.memory_space<vmem>>, vector<1x256xf32>
    %add3A = vector.broadcast %get3A_8 : vector<1x256xf32> to vector<784x256xf32>
    %add3A_9 = arith.addf %dot_general3A_5, %add3A : vector<784x256xf32>
    %convert_element_type3A = arith.truncf %add3A_9 : vector<784x256xf32> to vector<784x256xbf16>
    %get3A_10 = arith.constant 0 : index
    %get3A_11 = arith.constant 0 : index
    %get3A_12 = vector.load %arg4[%get3A_10, %get3A_11] : memref<256x256xbf16, #tpu.memory_space<vmem>>, vector<256x256xbf16>
    %dot_general3A_13 = arith.constant dense<0.000000e+00> : vector<784x256xf32>
    %dot_general3A_14 = tpu.matmul %convert_element_type3A, %get3A_12, %dot_general3A_13 {dimension_numbers = #tpu.dot_dimension_numbers<[1], [0], [0], [1], [0, 0, 1, 1], [], []>, transpose_lhs_hint = false} : vector<784x256xbf16>, vector<256x256xbf16>, vector<784x256xf32> -> vector<784x256xf32>
    %get3A_15 = arith.constant 0 : index
    %get3A_16 = arith.constant 0 : index
    %get3A_17 = vector.load %arg5[%get3A_15, %get3A_16] : memref<1x256xf32, #tpu.memory_space<vmem>>, vector<1x256xf32>
    %add3A_18 = vector.broadcast %get3A_17 : vector<1x256xf32> to vector<784x256xf32>
    %add3A_19 = arith.addf %dot_general3A_14, %add3A_18 : vector<784x256xf32>
    %transpose3A = tpu.transpose %add3A_19, [1, 0] : vector<784x256xf32> -> vector<256x784xf32>
    %swap3A = arith.constant 0 : index
    %swap3A_20 = arith.constant 0 : index
    %swap3A_21 = arith.constant 0 : index
    %swap3A_22 = vector.load %arg9[%swap3A, %swap3A_20, %swap3A_21] : memref<1x256x784xf32, #tpu.memory_space<vmem>>, vector<1x256x784xf32>
    %swap3A_23 = vector.shape_cast %swap3A_22 : vector<1x256x784xf32> to vector<256x784xf32>
    %swap3A_24 = vector.shape_cast %transpose3A : vector<256x784xf32> to vector<1x256x784xf32>
    tpu.vector_store %arg9[%swap3A, %swap3A_20, %swap3A_21], %swap3A_24 {strides = array<i32>} : memref<1x256x784xf32, #tpu.memory_space<vmem>>, vector<1x256x784xf32>,
    %convert_element_type3A_25 = arith.truncf %add3A_19 : vector<784x256xf32> to vector<784x256xbf16>
    %get3A_26 = arith.constant 0 : index
    %get3A_27 = arith.constant 0 : index
    %get3A_28 = vector.load %arg6[%get3A_26, %get3A_27] : memref<256x1024xbf16, #tpu.memory_space<vmem>>, vector<256x1024xbf16>
    %dot_general3A_29 = arith.constant dense<0.000000e+00> : vector<784x1024xf32>
    %dot_general3A_30 = tpu.matmul %convert_element_type3A_25, %get3A_28, %dot_general3A_29 {dimension_numbers = #tpu.dot_dimension_numbers<[1], [0], [0], [1], [0, 0, 1, 1], [], []>, transpose_lhs_hint = false} : vector<784x256xbf16>, vector<256x1024xbf16>, vector<784x1024xf32> -> vector<784x1024xf32>
    %mul3A = arith.mulf %add3A_19, %add3A_19 : vector<784x256xf32>
    %reduce_sum3A = arith.constant dense<0.000000e+00> : vector<784xf32>
    %reduce_sum3A_31 = vector.multi_reduction <add>, %mul3A, %reduce_sum3A [1] : vector<784x256xf32> to vector<784xf32>
    %broadcast_in_dim3A = vector.shape_cast %reduce_sum3A_31 : vector<784xf32> to vector<784x1xf32>
    %get3A_32 = arith.constant 0 : index
    %get3A_33 = arith.constant 0 : index
    %get3A_34 = vector.load %arg7[%get3A_32, %get3A_33] : memref<1x1024xf32, #tpu.memory_space<vmem>>, vector<1x1024xf32>
    %add3A_35 = vector.broadcast %broadcast_in_dim3A : vector<784x1xf32> to vector<784x1024xf32>
    %add3A_36 = vector.broadcast %get3A_34 : vector<1x1024xf32> to vector<784x1024xf32>
    %add3A_37 = arith.addf %add3A_35, %add3A_36 : vector<784x1024xf32>
    %mul3A_38 = arith.constant 2.000000e+00 : f32
    %mul3A_39 = vector.broadcast %mul3A_38 : f32 to vector<784x1024xf32>
    %mul3A_40 = arith.mulf %mul3A_39, %dot_general3A_30 : vector<784x1024xf32>
    %sub3A = arith.subf %add3A_37, %mul3A_40 : vector<784x1024xf32>
    %reduce_min3A = arith.constant dense<0x7F800000> : vector<784xf32>
    %reduce_min3A_41 = vector.multi_reduction <minimumf>, %sub3A, %reduce_min3A [1] : vector<784x1024xf32> to vector<784xf32>
    %broadcast_in_dim3A_42 = vector.shape_cast %reduce_min3A_41 : vector<784xf32> to vector<784x1xf32>
    %iota3A = tpu.iota {dimensions = array<i32: 1>} : vector<784x1024xi32>
    %eq3A = vector.broadcast %broadcast_in_dim3A_42 : vector<784x1xf32> to vector<784x1024xf32>
    %eq3A_43 = arith.cmpf oeq, %sub3A, %eq3A : vector<784x1024xf32>
    %jit3A = arith.constant 1024 : i32
    %broadcast_in_dim3A_44 = vector.broadcast %jit3A : i32 to vector<784x1024xi32>
    %select_n3A = arith.select %eq3A_43, %iota3A, %broadcast_in_dim3A_44 : vector<784x1024xi1>, vector<784x1024xi32>
    %reduce_min3A_45 = arith.constant dense<2147483647> : vector<784xi32>
    %reduce_min3A_46 = vector.multi_reduction <minsi>, %select_n3A, %reduce_min3A_45 [1] : vector<784x1024xi32> to vector<784xi32>
    %broadcast_in_dim3A_47 = vector.shape_cast %reduce_min3A_46 : vector<784xi32> to vector<784x1xi32>
    %squeeze3A = vector.shape_cast %broadcast_in_dim3A_47 : vector<784x1xi32> to vector<784xi32>
    %swap3A_48 = arith.constant 0 : index
    %swap3A_49 = arith.constant 0 : index
    %swap3A_50 = arith.constant 0 : index
    %swap3A_51 = vector.load %arg11[%swap3A_48, %swap3A_49, %swap3A_50] : memref<1x1x784xi32, #tpu.memory_space<vmem>>, vector<1x1x784xi32>
    %swap3A_52 = vector.shape_cast %swap3A_51 : vector<1x1x784xi32> to vector<784xi32>
    %swap3A_53 = vector.shape_cast %squeeze3A : vector<784xi32> to vector<1x1x784xi32>
    tpu.vector_store %arg11[%swap3A_48, %swap3A_49, %swap3A_50], %swap3A_53 {strides = array<i32>} : memref<1x1x784xi32, #tpu.memory_space<vmem>>, vector<1x1x784xi32>,
    %eq3A_54 = vector.broadcast %broadcast_in_dim3A_47 : vector<784x1xi32> to vector<784x1024xi32>
    %eq3A_55 = arith.cmpi eq, %iota3A, %eq3A_54 : vector<784x1024xi32>
    %convert_element_type3A_56 = arith.extui %eq3A_55 : vector<784x1024xi1> to vector<784x1024xi32>
    %convert_element_type3A_57 = arith.sitofp %convert_element_type3A_56 : vector<784x1024xi32> to vector<784x1024xf32>
    %convert_element_type3A_58 = arith.truncf %convert_element_type3A_57 : vector<784x1024xf32> to vector<784x1024xbf16>
    %get3A_59 = arith.constant 0 : index
    %get3A_60 = arith.constant 0 : index
    %get3A_61 = vector.load %arg8[%get3A_59, %get3A_60] : memref<1024x256xbf16, #tpu.memory_space<vmem>>, vector<1024x256xbf16>
    %dot_general3A_62 = arith.constant dense<0.000000e+00> : vector<784x256xf32>
    %dot_general3A_63 = tpu.matmul %convert_element_type3A_58, %get3A_61, %dot_general3A_62 {dimension_numbers = #tpu.dot_dimension_numbers<[1], [0], [0], [1], [0, 0, 1, 1], [], []>, transpose_lhs_hint = false} : vector<784x1024xbf16>, vector<1024x256xbf16>, vector<784x256xf32> -> vector<784x256xf32>
    %transpose3A_64 = tpu.transpose %dot_general3A_63, [1, 0] : vector<784x256xf32> -> vector<256x784xf32>
    %swap3A_65 = arith.constant 0 : index
    %swap3A_66 = arith.constant 0 : index
    %swap3A_67 = arith.constant 0 : index
    %swap3A_68 = vector.load %arg10[%swap3A_65, %swap3A_66, %swap3A_67] : memref<1x256x784xf32, #tpu.memory_space<vmem>>, vector<1x256x784xf32>
    %swap3A_69 = vector.shape_cast %swap3A_68 : vector<1x256x784xf32> to vector<256x784xf32>
    %swap3A_70 = vector.shape_cast %transpose3A_64 : vector<256x784xf32> to vector<1x256x784xf32>
    tpu.vector_store %arg10[%swap3A_65, %swap3A_66, %swap3A_67], %swap3A_70 {strides = array<i32>} : memref<1x256x784xf32, #tpu.memory_space<vmem>>, vector<1x256x784xf32>,
    return
  }
  func.func @transform_0(%arg0: i32) -> (i32, i32) {
    %c0_i32 = arith.constant 0 : i32
    %c0_i32_0 = arith.constant 0 : i32
    return %arg0, %c0_i32 : i32, i32
  }
  func.func @transform_1(%arg0: i32) -> (i32, i32) {
    %c0_i32 = arith.constant 0 : i32
    %c0_i32_0 = arith.constant 0 : i32
    %c0_i32_1 = arith.constant 0 : i32
    return %c0_i32, %c0_i32_0 : i32, i32
  }
  func.func @transform_2(%arg0: i32) -> (i32, i32) {
    %c0_i32 = arith.constant 0 : i32
    %c0_i32_0 = arith.constant 0 : i32
    %c0_i32_1 = arith.constant 0 : i32
    return %c0_i32, %c0_i32_0 : i32, i32
  }
  func.func @transform_3(%arg0: i32) -> (i32, i32) {
    %c0_i32 = arith.constant 0 : i32
    %c0_i32_0 = arith.constant 0 : i32
    %c0_i32_1 = arith.constant 0 : i32
    return %c0_i32, %c0_i32_0 : i32, i32
  }
  func.func @transform_4(%arg0: i32) -> (i32, i32) {
    %c0_i32 = arith.constant 0 : i32
    %c0_i32_0 = arith.constant 0 : i32
    %c0_i32_1 = arith.constant 0 : i32
    return %c0_i32, %c0_i32_0 : i32, i32
  }
  func.func @transform_5(%arg0: i32) -> (i32, i32) {
    %c0_i32 = arith.constant 0 : i32
    %c0_i32_0 = arith.constant 0 : i32
    %c0_i32_1 = arith.constant 0 : i32
    return %c0_i32, %c0_i32_0 : i32, i32
  }
  func.func @transform_6(%arg0: i32) -> (i32, i32) {
    %c0_i32 = arith.constant 0 : i32
    %c0_i32_0 = arith.constant 0 : i32
    %c0_i32_1 = arith.constant 0 : i32
    return %c0_i32, %c0_i32_0 : i32, i32
  }
  func.func @transform_7(%arg0: i32) -> (i32, i32) {
    %c0_i32 = arith.constant 0 : i32
    %c0_i32_0 = arith.constant 0 : i32
    %c0_i32_1 = arith.constant 0 : i32
    return %c0_i32, %c0_i32_0 : i32, i32
  }
  func.func @transform_8(%arg0: i32) -> (i32, i32, i32) {
    %c0_i32 = arith.constant 0 : i32
    %c0_i32_0 = arith.constant 0 : i32
    %c0_i32_1 = arith.constant 0 : i32
    return %arg0, %c0_i32, %c0_i32_0 : i32, i32, i32
  }
  func.func @transform_9(%arg0: i32) -> (i32, i32, i32) {
    %c0_i32 = arith.constant 0 : i32
    %c0_i32_0 = arith.constant 0 : i32
    %c0_i32_1 = arith.constant 0 : i32
    return %arg0, %c0_i32, %c0_i32_0 : i32, i32, i32
  }
  func.func @transform_10(%arg0: i32) -> (i32, i32, i32) {
    %c0_i32 = arith.constant 0 : i32
    %c0_i32_0 = arith.constant 0 : i32
    %c0_i32_1 = arith.constant 0 : i32
    return %arg0, %c0_i32, %c0_i32_0 : i32, i32, i32
  }
}

</mosaic_0001>

<sc_bundles>
// kernel: kernel.5.cloned.1.call-start
scs
__scs_entry_jumppad:
0x0: {  	(pc) =	sbr.rel $0x88, $3  }
0x1: {  	(tag) =	ssettag $0x0;
	lr =	simm.s32 $0x1  }
0x2: {  	[smem:$0x3F97] =	sst lr;
	_ =	strace $0xD0000000  }
0x3: {  	_ = 	snop  }
0x4: {  	_ = 	snop  }
0x5: {  	_ = 	snop  }
0x6: {  	_ = 	snop  }
0x7: {  	_ = 	snop  }
__scs_overlays_trampoline_lowered:
0x8: {  	[smem:$0x3FA6] =	sst s0  }
0x9: {  	[smem:$0x3FA7] =	sst s1  }
0xa: {  	[smem:$0x3FA8] =	sst s2  }
0xb: {  	[smem:$0x3FA9] =	sst s3  }
0xc: {  	[smem:$0x3FAA] =	sst s4  }
0xd: {  	[smem:$0x3FAB] =	sst s5  }
0xe: {  	[smem:$0x3FAC] =	sst s6  }
0xf: {  	[smem:$0x3FAD] =	sst s7  }
0x10: {  	[smem:$0x3FAE] =	sst s8  }
0x11: {  	[smem:$0x3FAF] =	sst s9;
	s0 =	simm.s32 @!p0 $0x0  }
0x12: {  	s1 =	sld [smem:$0x3F95];
	s0 =	simm.s32 @p0 $0x1  }
0x13: {  	[smem:$0x3FB0] =	sst s0;
	s0 =	simm.s32 @!p1 $0x0  }
0x14: {  	s2 =	sld [smem:$0x3F94];
	s0 =	simm.s32 @p1 $0x1  }
0x15: {  	[smem:$0x3FB1] =	sst s0;
	s0 =	simm.s32 @!p2 $0x0  }
0x16: {  	s3 =	sld [smem:$0x3FDB];
	s0 =	simm.s32 @p2 $0x1  }
0x17: {  	s4 =	simm.s32 $0x1BF5;
	[smem:$0x3FB3] =	sst s0  }
0x18: {  	s0 =	sld [smem:$0x3F96];
	_ =	swait.ge [sflag:s4], $0x0  }
0x19: {  	s7 =	sld [smem:$0x3F97]  }
0x1a: {  	s8 =	sadd.s32 $0xFFFFE003, lr  }
0x1b: {  	s9 =	sadd.s32 $0xFFFFFEF7, lr;
	s5 =	simm.s32 $0xFFFFFFFF;
	p2 =	slt.u32 s8, $0xFFFFF086  }
0x1c: {  	p1 =	slt.u32 s9, $0xF7A;
	s5 =	simm.s32 @!p2 $0x0  }
0x1d: {  	s5 =	simm.s32 @p1 $0x1;
	p0 =	seq.s32 s7, s2  }
0x1e: {  	s7 =	smul.u32 @!p0 $0xF7A, s2;
	p2 =	seq.s32 @!p0 s5, $0x0  }
0x1f: {  	s9 =	smul.u32 $0xF7A, s1;
	s8 =	simm.s32 @!p0 $0x1BF5;
	p2 =	por !p2, p0  }
0x20: {  	[sflag:s8] =	ssyncset.s32 @!p0 $0xFFFFF086;
	s6 =	sadd.s32 @!p0 s3, s7;
	s7 =	simm.s32 @!p0 $0x108  }
0x21: {  	s3 =	sadd.s32 s3, s9;
	s6 =	sadd.s32 @!p0 $0x88, s6;
	s7 =	simm.s32 @p2 $0x1082  }
0x22: {  	[simem:s7], [sflag:s8] =	dma.local @!p0 [hbm:s6], $0xF7A  }
0x23: {  	s9 =	sor.u32 $0xD0000000, s2;
	s6 =	simm.s32 $0x108;
	_ =	swait.ge @!p0 [sflag:s8], $0x0  }
0x24: {  	s3 =	sadd.s32 $0x88, s3;
	s6 =	simm.s32 @!p1 $0x1082;
	[sflag:s4] =	ssyncset.s32 $0xFFFFF086  }
0x25: {  	[simem:s6], [sflag:s4] =	dma.local [hbm:s3], $0xF7A  }
0x26: {  	[smem:$0x3F97] =	sst s1;
	(tag) =	ssettag s2;
	_ =	strace s9  }
0x27: {  	s1 =	sld [smem:$0x3FA7]  }
0x28: {  	s2 =	sld [smem:$0x3FA8]  }
0x29: {  	s4 =	sld [smem:$0x3FAA]  }
0x2a: {  	p0 =	seq.s32 s5, $0x0;
	s5 =	sld [smem:$0x3FAB]  }
0x2b: {  	s6 =	sld [smem:$0x3FAC]  }
0x2c: {  	s7 =	sld [smem:$0x3FAD]  }
0x2d: {  	s3 =	simm.s32 $0x108;
	s8 =	sld [smem:$0x3FAE]  }
0x2e: {  	s3 =	simm.s32 @!p0 $0x1082;
	s9 =	sld [smem:$0x3FAF]  }
0x2f: {  	lr =	sadd.s32 s0, s3;
	s0 =	sld [smem:$0x3FA6]  }
0x30: {  	s3 =	sld [smem:$0x3FA9]  }
0x31: {  	[smem:$0x3FB2] =	sst s10  }
0x32: {  	s10 =	sld [smem:$0x3FB0];
	_ =	sdelay $0x3  }
0x33: {  	p0 =	seq.s32 s10, $0x1;
	s10 =	sld [smem:$0x3FB2];
	_ =	sdelay $0x3  }
0x34: {  	[smem:$0x3FB2] =	sst s10  }
0x35: {  	s10 =	sld [smem:$0x3FB1];
	_ =	sdelay $0x3  }
0x36: {  	p1 =	seq.s32 s10, $0x1;
	s10 =	sld [smem:$0x3FB2];
	_ =	sdelay $0x3  }
0x37: {  	[smem:$0x3FB2] =	sst s10  }
0x38: {  	s10 =	sld [smem:$0x3FB3]  }
0x39: {  	_ = 	snop;
	(pc) =	sbr.ind lr, $3  }
0x3a: {  	_ = 	snop  }
0x3b: {  	_ = 	snop  }
0x3c: {  	p2 =	seq.s32 s10, $0x1;
	s10 =	sld [smem:$0x3FB2]  }
0x3d: {  	_ =	shalt  }
0x3e: {  	_ =	shalt  }
0x3f: {  	_ =	shalt  }
0x40: {  	_ =	shalt  }
0x41: {  	_ =	shalt  }
0x42: {  	_ =	shalt  }
0x43: {  	_ =	shalt  }
0x44: {  	_ =	shalt  }
0x45: {  	_ =	shalt  }
0x46: {  	_ =	shalt  }
0x47: {  	_ =	shalt  }
0x48: {  	_ =	shalt  }
0x49: {  	_ =	shalt  }
0x4a: {  	_ =	shalt  }
0x4b: {  	_ =	shalt  }
0x4c: {  	_ =	shalt  }
0x4d: {  	_ =	shalt  }
0x4e: {  	_ =	shalt  }
0x4f: {  	_ =	shalt  }
0x50: {  	_ =	shalt  }
0x51: {  	_ =	shalt  }
0x52: {  	_ =	shalt  }
0x53: {  	_ =	shalt  }
0x54: {  	_ =	shalt  }
0x55: {  	_ =	shalt  }
0x56: {  	_ =	shalt  }
0x57: {  	_ =	shalt  }
0x58: {  	_ =	shalt  }
0x59: {  	_ =	shalt  }
0x5a: {  	_ =	shalt  }
0x5b: {  	_ =	shalt  }
0x5c: {  	_ =	shalt  }
0x5d: {  	_ =	shalt  }
0x5e: {  	_ =	shalt  }
0x5f: {  	_ =	shalt  }
0x60: {  	_ =	shalt  }
0x61: {  	_ =	shalt  }
0x62: {  	_ =	shalt  }
0x63: {  	_ =	shalt  }
0x64: {  	_ =	shalt  }
0x65: {  	_ =	shalt  }
0x66: {  	_ =	shalt  }
0x67: {  	_ =	shalt  }
0x68: {  	_ =	shalt  }
0x69: {  	_ =	shalt  }
0x6a: {  	_ =	shalt  }
0x6b: {  	_ =	shalt  }
0x6c: {  	_ =	shalt  }
0x6d: {  	_ =	shalt  }
0x6e: {  	_ =	shalt  }
0x6f: {  	_ =	shalt  }
0x70: {  	_ =	shalt  }
0x71: {  	_ =	shalt  }
0x72: {  	_ =	shalt  }
0x73: {  	_ =	shalt  }
0x74: {  	_ =	shalt  }
0x75: {  	_ =	shalt  }
0x76: {  	_ =	shalt  }
0x77: {  	_ =	shalt  }
0x78: {  	_ =	shalt  }
0x79: {  	_ =	shalt  }
0x7a: {  	_ =	shalt  }
0x7b: {  	_ =	shalt  }
0x7c: {  	_ =	shalt  }
0x7d: {  	_ =	shalt  }
0x7e: {  	_ =	shalt  }
0x7f: {  	_ =	shalt  }
0x80: {  	_ =	shalt  }
0x81: {  	_ =	shalt  }
0x82: {  	_ =	shalt  }
0x83: {  	_ =	shalt  }
0x84: {  	_ =	shalt  }
0x85: {  	_ =	shalt  }
0x86: {  	_ =	shalt  }
0x87: {  	_ =	shalt  }
.Lfunc_end0:
.L_simem_size_0:
called_computation_lowered:
.L_overlay_start_0:
0x88: {  	s2 =	sld [smem:$0x3FD9]  }
0x89: {  	s3 =	sld [smem:$0x3FFE];
	_ =	sdelay $0x1  }
0x8a: {  	s1 =	srdreg.scid  }
0x8b: {  	s0 =	sand.u32 $0x1, s1  }
0x8c: {  	s14 =	sshll.u32 s0, $0xA;
	s2 =	sadd.s32 s3, s2  }
0x8d: {  	s2 =	sadd.s32 s2, s14  }
0x8e: {  	[smem:$0x3FBE] =	sst s2  }
0x8f: {  	_ = 	snop  }
0x90: {  	s2 =	sld [smem:$0x3FD0];
	_ =	sdelay $0x2  }
0x91: {  	s15 =	simm.s32 $0xA;
	s4 =	simm.s32 $0x10  }
0x92: {  	[smem:s4], [sflag:s15] =	dma.local [hbm:s2], $0x1  }
0x93: {  	_ =	swait.eq [sflag:s15], $0x1  }
0x94: {  	[sflag:s15] =	ssyncset.done $0x0  }
0x95: {  	[sflag:s15] =	ssyncadd.s32 $0xFFFFFFFF  }
0x96: {  	s16 =	sld [smem:$0x12];
	(tm) =	ssettm $0x1  }
0x97: {  	s17 =	sld [smem:$0x3FFB];
	_ =	sdelay $0x3  }
0x98: {  	_ =	strace s17  }
0x99: {  	s3 =	sld [smem:$0x3FFC];
	_ =	sdelay $0x3  }
0x9a: {  	_ =	strace s3  }
0x9b: {  	s3 =	sld [smem:$0x3FFD];
	_ =	sdelay $0x3  }
0x9c: {  	_ =	strace s3  }
0x9d: {  	_ =	strace $0x8FFFFFFF  }
0x9e: {  	s18 =	sld [smem:$0x3FDB];
	_ =	sdelay $0x1  }
0x9f: {  	s19 =	simm.s32 $_scs_section_size  }
0xa0: {  	s5 =	simm.s32 $_size__tile_overlayer_lowered;
	s6 =	simm.s32 $_tile_overlayer_lowered  }
0xa1: {  	s22 =	simm.s32 $0x1BFF;
	s21 =	sshll.u32 s6, $0x1;
	s3 =	sadd.s32 s19, s18  }
0xa2: {  	s7 =	simm.s32 $0x0;
	s20 =	sshll.u32 s5, $0x1;
	s5 =	sadd.s32 s21, s3  }
0xa3: {  	[timem:s7], [sflag:s22] =	dma.local [hbm:s5], s20  }
0xa4: {  	_ =	swait.ge [sflag:s22], s20  }
0xa5: {  	s4 =	ssub.s32 $0x0, s20;
	[sflag:s22] =	ssyncset.done $0x0  }
0xa6: {  	[sflag:s22] =	ssyncadd.s32 s4;
	_ =	sdelay $0x1  }
0xa7: {  	s23 =	simm.s32 $0x1B8B  }
0xa8: {  	_ =	swait.ge [sflag:s23], $0x1  }
0xa9: {  	[sflag:s23] =	ssyncset.done $0x0  }
0xaa: {  	s25 =	simm.s32 $0x1B8E;
	s24 =	sld [smem:$0x3FFE];
	[sflag:s23] =	ssyncadd.s32 $0xFFFFFFFF  }
0xab: {  	s26 =	simm.s32 $execute0_lowered;
	[smem:$0x3FD2] =	sst s25  }
0xac: {  	s5 =	sshll.u32 s26, $0x1;
	_ =	strace $0x80000046;
	[dreg:$0x1] =	wrdreg $0xFFFFFFFF  }
0xad: {  	s28 =	simm.s32 $_size_execute0_lowered;
	s3 =	sadd.s32 s3, s5;
	[dreg:$0x0] =	wrdreg $0x0  }
0xae: {  	s5 =	sshll.u32 s28, $0x1;
	[dreg:$0x2] =	wrdreg s3  }
0xaf: {  	[dreg:$0x3] =	wrdreg s5  }
0xb0: {  	[dreg:$0x4] =	wrdreg $0xC0  }
0xb1: {  	_ =	task [dreg:s7], $0x5FFFF  }
0xb2: {  	[dreg:$0x1] =	wrdreg $0xFFFFFFFF  }
0xb3: {  	[dreg:$0x0] =	wrdreg $0x60  }
0xb4: {  	[dreg:$0x2] =	wrdreg s24  }
0xb5: {  	[dreg:$0x3] =	wrdreg s16  }
0xb6: {  	[dreg:$0x4] =	wrdreg $0x9  }
0xb7: {  	_ =	task.clear_ibuf [dreg:s7], $0x5FFFF;
	_ =	strace $0x90000046  }
0xb8: {  	s29 =	simm.s32 $0x9;
	_ =	strace $0x80000048  }
0xb9: {  	_ =	swait.ge [sflag:s29], $0x1  }
0xba: {  	[sflag:s29] =	ssyncadd.s32 $0xFFFFFFFF  }
0xbb: {  	_ =	strace $0x90000048  }
0xbc: {  	_ =	sfence  }
0xbd: {  	s30 =	sld [smem:$0x0];
	_ =	sdelay $0x2  }
0xbe: {  	s31 =	sshll.u32 s1, $0xD;
	s1 =	sshrl.u32 s1, $0x2  }
0xbf: {  	s3 =	sand.u32 $0x4000, s31;
	s1 =	sadd.s32 s1, s30  }
0xc0: {  	s0 =	sor.u32 s3, s0;
	s1 =	sshll.u32 s1, $0x11  }
0xc1: {  	s0 =	sor.u32 s1, s0  }
0xc2: {  	s0 =	sadd.s32 $0x8F2B, s0  }
0xc3: {  	[sflag:s0] =	ssyncadd.remote.s32 $0x1  }
0xc4: {  	_ =	sfence.sel $0xFFFF  }
0xc5: {  	[dreg:$0x0] =	wrdreg $0xFFFFFFFF;
	(pc) =	sbr.abs _section_cstart, $3  }
0xc6: {  	[dreg:$0x1] =	wrdreg $0xFFFFFFFF  }
0xc7: {  	_ =	task.clear_ibuf [dreg:s7], $0x2FFFF;
	_ =	strace $0x9FFFFFFF  }
0xc8: {  	(tm) =	ssettm $0x7FFFFFFF  }
0xc9: {  	_ =	shalt  }
tec
execute0_lowered:
.L_overlay_start_1:
0x0: {  	(tag) =	ssettag $0x1  }
0x1: {  	s3 =	stileid.u32;
	s0 =	rddreg [dreg:$0x0]  }
0x2: {  	s1 =	srdreg.scid;
	s5 =	rddreg [dreg:$0x1];
	s10 =	simm.s32 $0x2  }
0x3: {  	s11 =	simm.s32 $0x100;
	s12 =	simm.s32 $0xB100;
	s13 =	simm.s32 $0xB900  }
0x4: {  	s14 =	simm.s32 $0xC100;
	s15 =	simm.s32 $0xC900;
	s16 =	simm.s32 $0x1  }
0x5: {  	s17 =	simm.s32 $0xD100;
	s2 =	sshll.u32 s3, $0x1;
	s3 =	sshrl.u32 s3, $0x1  }
0x6: {  	s1 =	sand.u32 $0x1, s1;
	s2 =	sand.u32 $0x2, s2;
	s6 =	smul.u32 $0x310, s3  }
0x7: {  	s18 =	simm.s32 $0x10900;
	s8 =	smul.u32 $0x2A000, s3;
	s4 =	sor.u32 s1, s2  }
0x8: {  	s19 =	simm.s32 $0x14100;
	s2 =	simm.s32 $0x0;
	s7 =	smul.u32 $0xC4, s4  }
0x9: {  	s1 =	ssub.s32 $0x2, s1;
	[smem:$0x7FF] =	sst s2;
	s4 =	smul.u32 $0x3800, s4  }
0xa: {  	s20 =	simm.s32 $0x0;
	s30 =	sshrl.u32 s1, $0x1;
	_ =	strace $0x80000047  }
0xb: {  	s6 =	sadd.s32 s6, s7;
	s3 =	sand.u32 $0x4, s7;
	s4 =	sadd.s32 s8, s4  }
0xc: {  	s31 =	ssub.s32 s1, s30;
	s6 =	ssub.s32 s6, s3;
	s8 =	sshrl.u32 s4, $0x3  }
0xd: {  	v2 =	vlaneseq.u32;
	vm0 =	vmmov $0xffff;
	s9 =	smax.u32 s31, $0x1;
	s6 =	sshrl.u32 s6, $0x3;
	s5 =	sadd.s32 s5, s8  }
0xe: {  	v3 =	vshrl.u32 v2, $0x3;
	v0 =	vand.u32 $0x7, v2;
	v2 =	vor.u32 $0x8, v2;
	s4 =	sadd.s32 $0x1800, s0;
	s6 =	sadd.s32 s6, s0;
	s7 =	sadd.s32 $0x1C00, s5  }
0xf: {  	v1 =	vmul.u32 $0x8, v3;
	v3 =	vmul.u32 $0x80, v3;
	v4 =	vor.u32 $0x400, v0;
	s8 =	sadd.s32 $0x3800, s5;
	s0 =	simm.s32 $0xA900;
	s6 =	sadd.s32 $0x9800, s6  }
.LBB2_1:
0x10: {  	[tilespmem:s2], [sflag:$0x2] =	stream.linear.gather [hbm4b:s6+s2], $0xD0, $0x38;
	[tilespmem:$0x17900] =	vst v63  }
0x11: {  	_ =	swait.ge [sflag:s10], $0xD0  }
0x12: {  	[sflag:s10] =	ssyncset.done $0x0  }
0x13: {  	[sflag:s10] =	ssyncadd.s32 $0xFFFFFF30  }
0x14: {  	v5 =	vld [tilespmem:$0x0];
	_ =	sdelay $0x4  }
0x15: {  	v6 =	vshll.u32 v5, $0x1  }
0x16: {  	v5 =	vand.u32 $0x7, v5;
	v6 =	vand.u32 $0xFFFFFFF0, v6  }
0x17: {  	v5 =	vor.u32 v5, v6  }
0x18: {  	v6 =	vperm.xlane v5, v0;
	_ =	sdelay $0x1  }
0x19: {  	v5 =	vperm.xlane v5, v2;
	v6 =	vadd.s32 v1, v6;
	_ =	sdelay $0x1  }
0x1a: {  	v5 =	vadd.s32 v1, v5;
	_ =	sdelay $0x2  }
0x1b: {  	[tilespmem:s11], [sflag:$0x1] =	stream.indirect_vreg.gather [hbm4b:s4+s2], $0x80, v6, vm0, $0xb8;
	[tilespmem:$0x17900] =	vst v63  }
0x1c: {  	s1 =	simm.s32 $0x900  }
0x1d: {  	[tilespmem:s1], [sflag:$0x1] =	stream.indirect_vreg.gather [hbm4b:s4+s2], $0x80, v5, vm0, $0xb8;
	[tilespmem:$0x17900] =	vst v63  }
0x1e: {  	v5 =	vld [tilespmem:$0x10];
	_ =	sdelay $0x4  }
0x1f: {  	v6 =	vshll.u32 v5, $0x1  }
0x20: {  	v5 =	vand.u32 $0x7, v5;
	v6 =	vand.u32 $0xFFFFFFF0, v6  }
0x21: {  	v5 =	vor.u32 v5, v6  }
0x22: {  	v6 =	vperm.xlane v5, v0;
	_ =	sdelay $0x1  }
0x23: {  	v5 =	vperm.xlane v5, v2;
	v6 =	vadd.s32 v1, v6;
	_ =	sdelay $0x1  }
0x24: {  	v5 =	vadd.s32 v1, v5;
	_ =	sdelay $0x1  }
0x25: {  	s26 =	simm.s32 $0x1100  }
0x26: {  	[tilespmem:s26], [sflag:$0x1] =	stream.indirect_vreg.gather [hbm4b:s4+s2], $0x80, v6, vm0, $0xb8;
	[tilespmem:$0x17900] =	vst v63  }
0x27: {  	s28 =	simm.s32 $0x1900  }
0x28: {  	[tilespmem:s28], [sflag:$0x1] =	stream.indirect_vreg.gather [hbm4b:s4+s2], $0x80, v5, vm0, $0xb8;
	[tilespmem:$0x17900] =	vst v63  }
0x29: {  	v5 =	vld [tilespmem:$0x20];
	_ =	sdelay $0x4  }
0x2a: {  	v6 =	vshll.u32 v5, $0x1  }
0x2b: {  	v5 =	vand.u32 $0x7, v5;
	v6 =	vand.u32 $0xFFFFFFF0, v6  }
0x2c: {  	v5 =	vor.u32 v5, v6  }
0x2d: {  	v6 =	vperm.xlane v5, v0;
	_ =	sdelay $0x1  }
0x2e: {  	v5 =	vperm.xlane v5, v2;
	v6 =	vadd.s32 v1, v6;
	_ =	sdelay $0x1  }
0x2f: {  	v5 =	vadd.s32 v1, v5;
	_ =	sdelay $0x1  }
0x30: {  	s29 =	simm.s32 $0x2100  }
0x31: {  	[tilespmem:s29], [sflag:$0x1] =	stream.indirect_vreg.gather [hbm4b:s4+s2], $0x80, v6, vm0, $0xb8;
	[tilespmem:$0x17900] =	vst v63  }
0x32: {  	s30 =	simm.s32 $0x2900  }
0x33: {  	[tilespmem:s30], [sflag:$0x1] =	stream.indirect_vreg.gather [hbm4b:s4+s2], $0x80, v5, vm0, $0xb8;
	[tilespmem:$0x17900] =	vst v63  }
0x34: {  	v5 =	vld [tilespmem:$0x30];
	_ =	sdelay $0x4  }
0x35: {  	v6 =	vshll.u32 v5, $0x1  }
0x36: {  	v5 =	vand.u32 $0x7, v5;
	v6 =	vand.u32 $0xFFFFFFF0, v6  }
0x37: {  	v5 =	vor.u32 v5, v6  }
0x38: {  	v6 =	vperm.xlane v5, v0;
	_ =	sdelay $0x1  }
0x39: {  	v5 =	vperm.xlane v5, v2;
	v6 =	vadd.s32 v1, v6;
	_ =	sdelay $0x1  }
0x3a: {  	v5 =	vadd.s32 v1, v5;
	_ =	sdelay $0x1  }
0x3b: {  	s31 =	simm.s32 $0x3100  }
0x3c: {  	[tilespmem:s31], [sflag:$0x1] =	stream.indirect_vreg.gather [hbm4b:s4+s2], $0x80, v6, vm0, $0xb8;
	[tilespmem:$0x17900] =	vst v63  }
0x3d: {  	s21 =	simm.s32 $0x3900  }
0x3e: {  	[tilespmem:s21], [sflag:$0x1] =	stream.indirect_vreg.gather [hbm4b:s4+s2], $0x80, v5, vm0, $0xb8;
	[tilespmem:$0x17900] =	vst v63  }
0x3f: {  	v5 =	vld [tilespmem:$0x40];
	_ =	sdelay $0x4  }
0x40: {  	v6 =	vshll.u32 v5, $0x1  }
0x41: {  	v5 =	vand.u32 $0x7, v5;
	v6 =	vand.u32 $0xFFFFFFF0, v6  }
0x42: {  	v5 =	vor.u32 v5, v6  }
0x43: {  	v6 =	vperm.xlane v5, v0;
	_ =	sdelay $0x1  }
0x44: {  	v5 =	vperm.xlane v5, v2;
	v6 =	vadd.s32 v1, v6;
	_ =	sdelay $0x1  }
0x45: {  	v5 =	vadd.s32 v1, v5;
	_ =	sdelay $0x1  }
0x46: {  	s22 =	simm.s32 $0x4100  }
0x47: {  	[tilespmem:s22], [sflag:$0x1] =	stream.indirect_vreg.gather [hbm4b:s4+s2], $0x80, v6, vm0, $0xb8;
	[tilespmem:$0x17900] =	vst v63  }
0x48: {  	s23 =	simm.s32 $0x4900  }
0x49: {  	[tilespmem:s23], [sflag:$0x1] =	stream.indirect_vreg.gather [hbm4b:s4+s2], $0x80, v5, vm0, $0xb8;
	[tilespmem:$0x17900] =	vst v63  }
0x4a: {  	v5 =	vld [tilespmem:$0x50];
	_ =	sdelay $0x4  }
0x4b: {  	v6 =	vshll.u32 v5, $0x1  }
0x4c: {  	v5 =	vand.u32 $0x7, v5;
	v6 =	vand.u32 $0xFFFFFFF0, v6  }
0x4d: {  	v5 =	vor.u32 v5, v6  }
0x4e: {  	v6 =	vperm.xlane v5, v0;
	_ =	sdelay $0x1  }
0x4f: {  	v5 =	vperm.xlane v5, v2;
	v6 =	vadd.s32 v1, v6;
	_ =	sdelay $0x1  }
0x50: {  	v5 =	vadd.s32 v1, v5;
	_ =	sdelay $0x1  }
0x51: {  	s24 =	simm.s32 $0x5100  }
0x52: {  	[tilespmem:s24], [sflag:$0x1] =	stream.indirect_vreg.gather [hbm4b:s4+s2], $0x80, v6, vm0, $0xb8;
	[tilespmem:$0x17900] =	vst v63  }
0x53: {  	s25 =	simm.s32 $0x5900  }
0x54: {  	[tilespmem:s25], [sflag:$0x1] =	stream.indirect_vreg.gather [hbm4b:s4+s2], $0x80, v5, vm0, $0xb8;
	[tilespmem:$0x17900] =	vst v63  }
0x55: {  	v5 =	vld [tilespmem:$0x60];
	_ =	sdelay $0x4  }
0x56: {  	v6 =	vshll.u32 v5, $0x1  }
0x57: {  	v5 =	vand.u32 $0x7, v5;
	v6 =	vand.u32 $0xFFFFFFF0, v6  }
0x58: {  	v5 =	vor.u32 v5, v6  }
0x59: {  	v6 =	vperm.xlane v5, v0;
	_ =	sdelay $0x1  }
0x5a: {  	v5 =	vperm.xlane v5, v2;
	v6 =	vadd.s32 v1, v6;
	_ =	sdelay $0x1  }
0x5b: {  	v5 =	vadd.s32 v1, v5;
	_ =	sdelay $0x1  }
0x5c: {  	s26 =	simm.s32 $0x6100  }
0x5d: {  	[tilespmem:s26], [sflag:$0x1] =	stream.indirect_vreg.gather [hbm4b:s4+s2], $0x80, v6, vm0, $0xb8;
	[tilespmem:$0x17900] =	vst v63  }
0x5e: {  	s28 =	simm.s32 $0x6900  }
0x5f: {  	[tilespmem:s28], [sflag:$0x1] =	stream.indirect_vreg.gather [hbm4b:s4+s2], $0x80, v5, vm0, $0xb8;
	[tilespmem:$0x17900] =	vst v63  }
0x60: {  	v5 =	vld [tilespmem:$0x70];
	_ =	sdelay $0x4  }
0x61: {  	v6 =	vshll.u32 v5, $0x1  }
0x62: {  	v5 =	vand.u32 $0x7, v5;
	v6 =	vand.u32 $0xFFFFFFF0, v6  }
0x63: {  	v5 =	vor.u32 v5, v6  }
0x64: {  	v6 =	vperm.xlane v5, v0;
	_ =	sdelay $0x1  }
0x65: {  	v5 =	vperm.xlane v5, v2;
	v6 =	vadd.s32 v1, v6;
	_ =	sdelay $0x1  }
0x66: {  	v5 =	vadd.s32 v1, v5;
	_ =	sdelay $0x1  }
0x67: {  	s29 =	simm.s32 $0x7100  }
0x68: {  	[tilespmem:s29], [sflag:$0x1] =	stream.indirect_vreg.gather [hbm4b:s4+s2], $0x80, v6, vm0, $0xb8;
	[tilespmem:$0x17900] =	vst v63  }
0x69: {  	s30 =	simm.s32 $0x7900  }
0x6a: {  	[tilespmem:s30], [sflag:$0x1] =	stream.indirect_vreg.gather [hbm4b:s4+s2], $0x80, v5, vm0, $0xb8;
	[tilespmem:$0x17900] =	vst v63  }
0x6b: {  	v5 =	vld [tilespmem:$0x80];
	_ =	sdelay $0x4  }
0x6c: {  	v6 =	vshll.u32 v5, $0x1  }
0x6d: {  	v5 =	vand.u32 $0x7, v5;
	v6 =	vand.u32 $0xFFFFFFF0, v6  }
0x6e: {  	v5 =	vor.u32 v5, v6  }
0x6f: {  	v6 =	vperm.xlane v5, v0;
	_ =	sdelay $0x1  }
0x70: {  	v5 =	vperm.xlane v5, v2;
	v6 =	vadd.s32 v1, v6;
	_ =	sdelay $0x1  }
0x71: {  	v5 =	vadd.s32 v1, v5;
	_ =	sdelay $0x1  }
0x72: {  	s31 =	simm.s32 $0x8100  }
0x73: {  	[tilespmem:s31], [sflag:$0x1] =	stream.indirect_vreg.gather [hbm4b:s4+s2], $0x80, v6, vm0, $0xb8;
	[tilespmem:$0x17900] =	vst v63  }
0x74: {  	s21 =	simm.s32 $0x8900  }
0x75: {  	[tilespmem:s21], [sflag:$0x1] =	stream.indirect_vreg.gather [hbm4b:s4+s2], $0x80, v5, vm0, $0xb8;
	[tilespmem:$0x17900] =	vst v63  }
0x76: {  	v5 =	vld [tilespmem:$0x90];
	_ =	sdelay $0x4  }
0x77: {  	v6 =	vshll.u32 v5, $0x1  }
0x78: {  	v5 =	vand.u32 $0x7, v5;
	v6 =	vand.u32 $0xFFFFFFF0, v6  }
0x79: {  	v5 =	vor.u32 v5, v6  }
0x7a: {  	v6 =	vperm.xlane v5, v0;
	_ =	sdelay $0x1  }
0x7b: {  	v5 =	vperm.xlane v5, v2;
	v6 =	vadd.s32 v1, v6;
	_ =	sdelay $0x1  }
0x7c: {  	v5 =	vadd.s32 v1, v5;
	_ =	sdelay $0x1  }
0x7d: {  	s22 =	simm.s32 $0x9100  }
0x7e: {  	[tilespmem:s22], [sflag:$0x1] =	stream.indirect_vreg.gather [hbm4b:s4+s2], $0x80, v6, vm0, $0xb8;
	[tilespmem:$0x17900] =	vst v63  }
0x7f: {  	s23 =	simm.s32 $0x9900  }
0x80: {  	[tilespmem:s23], [sflag:$0x1] =	stream.indirect_vreg.gather [hbm4b:s4+s2], $0x80, v5, vm0, $0xb8;
	[tilespmem:$0x17900] =	vst v63  }
0x81: {  	v5 =	vld [tilespmem:$0xA0];
	_ =	sdelay $0x4  }
0x82: {  	v6 =	vshll.u32 v5, $0x1  }
0x83: {  	v5 =	vand.u32 $0x7, v5;
	v6 =	vand.u32 $0xFFFFFFF0, v6  }
0x84: {  	v5 =	vor.u32 v5, v6  }
0x85: {  	v6 =	vperm.xlane v5, v0;
	_ =	sdelay $0x1  }
0x86: {  	v5 =	vperm.xlane v5, v2;
	v6 =	vadd.s32 v1, v6;
	_ =	sdelay $0x1  }
0x87: {  	v5 =	vadd.s32 v1, v5;
	_ =	sdelay $0x1  }
0x88: {  	s24 =	simm.s32 $0xA100  }
0x89: {  	[tilespmem:s24], [sflag:$0x1] =	stream.indirect_vreg.gather [hbm4b:s4+s2], $0x80, v6, vm0, $0xb8;
	[tilespmem:$0x17900] =	vst v63  }
0x8a: {  	_ = 	snop  }
0x8b: {  	[tilespmem:s0], [sflag:$0x1] =	stream.indirect_vreg.gather [hbm4b:s4+s2], $0x80, v5, vm0, $0xb8;
	[tilespmem:$0x17900] =	vst v63  }
0x8c: {  	v5 =	vld [tilespmem:$0xB0];
	_ =	sdelay $0x4  }
0x8d: {  	v6 =	vshll.u32 v5, $0x1  }
0x8e: {  	v5 =	vand.u32 $0x7, v5;
	v6 =	vand.u32 $0xFFFFFFF0, v6  }
0x8f: {  	v5 =	vor.u32 v5, v6  }
0x90: {  	v6 =	vperm.xlane v5, v0;
	_ =	sdelay $0x1  }
0x91: {  	v5 =	vperm.xlane v5, v2;
	v6 =	vadd.s32 v1, v6;
	_ =	sdelay $0x1  }
0x92: {  	v5 =	vadd.s32 v1, v5;
	_ =	sdelay $0x2  }
0x93: {  	[tilespmem:s12], [sflag:$0x1] =	stream.indirect_vreg.gather [hbm4b:s4+s2], $0x80, v6, vm0, $0xb8;
	[tilespmem:$0x17900] =	vst v63  }
0x94: {  	_ = 	snop  }
0x95: {  	[tilespmem:s13], [sflag:$0x1] =	stream.indirect_vreg.gather [hbm4b:s4+s2], $0x80, v5, vm0, $0xb8;
	[tilespmem:$0x17900] =	vst v63  }
0x96: {  	v5 =	vld [tilespmem:$0xC0];
	_ =	sdelay $0x4  }
0x97: {  	v6 =	vshll.u32 v5, $0x1  }
0x98: {  	v5 =	vand.u32 $0x7, v5;
	v6 =	vand.u32 $0xFFFFFFF0, v6  }
0x99: {  	s21 =	simm.s32 $0x0;
	v5 =	vor.u32 v5, v6  }
0x9a: {  	s21 =	smul.u32 $0x1C, s21;
	v6 =	vperm.xlane v5, v0;
	_ =	sdelay $0x1  }
0x9b: {  	s22 =	sadd.s32 s3, s21;
	v5 =	vperm.xlane v5, v2;
	v6 =	vadd.s32 v1, v6  }
0x9c: {  	v7 =	vmov s22  }
0x9d: {  	v8 =	vadd.s32 v1, v5;
	v5 =	vshll.u32 v7, $0x7  }
0x9e: {  	v7 =	vshll.u32 v7, $0x8;
	v5 =	vor.u32 v3, v5  }
0x9f: {  	s25 =	sand.u32 $0x38, s2;
	v7 =	vand.u32 $0x7FFFF800, v7;
	v9 =	vand.u32 $0x280, v5  }
0xa0: {  	v5 =	vor.u32 s25, v0;
	[tilespmem:s14], [sflag:$0x1] =	stream.indirect_vreg.gather [hbm4b:s4+s2], $0x80, v6, vm0, $0xb8;
	v6 =	vor.u32 v9, v7;
	[tilespmem:$0x17900] =	vst v63  }
0xa1: {  	s26 =	sor.u32 $0x2, s22;
	v6 =	vor.u32 v5, v6  }
0xa2: {  	v7 =	vmov s26;
	[tilespmem:s15], [sflag:$0x1] =	stream.indirect_vreg.gather [hbm4b:s4+s2], $0x80, v8, vm0, $0xb8;
	[tilespmem:$0x17900] =	vst v63  }
0xa3: {  	v8 =	vshll.u32 v7, $0x7;
	_ =	swait.ge [sflag:s16], $0xD000  }
0xa4: {  	v7 =	vshll.u32 v7, $0x8;
	v8 =	vor.u32 v3, v8;
	[sflag:s16] =	ssyncset.done $0x0  }
0xa5: {  	v7 =	vand.u32 $0x7FFFF800, v7;
	v8 =	vand.u32 $0x380, v8;
	[sflag:s16] =	ssyncadd.s32 $0xFFFF3000  }
0xa6: {  	v7 =	vor.u32 v8, v7;
	v6 =	vld.idx.msk [tilespmem:v6+s11+$0x0], $0xffff  }
0xa7: {  	s28 =	sadd.s32 $0x4, s22;
	v7 =	vor.u32 v5, v7  }
0xa8: {  	v8 =	vmov s28  }
0xa9: {  	s29 =	sand.u32 $0x3800, s2;
	s23 =	sand.u32 $0x380, s2;
	v9 =	vshll.u32 v8, $0x7  }
0xaa: {  	s21 =	sor.u32 s23, s29;
	v8 =	vshll.u32 v8, $0x8;
	v9 =	vor.u32 v3, v9  }
0xab: {  	[tilespmem:s21+$0xD100] =	vst v6;
	v6 =	vand.u32 $0x7FFFF800, v8;
	v8 =	vand.u32 $0x280, v9  }
0xac: {  	v7 =	vld.idx.msk [tilespmem:v7+s11+$0x0], $0xffff;
	v6 =	vor.u32 v8, v6  }
0xad: {  	s30 =	sadd.s32 $0x6, s22;
	v6 =	vor.u32 v5, v6  }
0xae: {  	v8 =	vmov s30  }
0xaf: {  	v9 =	vshll.u32 v8, $0x7  }
0xb0: {  	v8 =	vshll.u32 v8, $0x8;
	v9 =	vor.u32 v3, v9  }
0xb1: {  	[tilespmem:s21+$0xD110] =	vst v7;
	v7 =	vand.u32 $0x7FFFF800, v8;
	v8 =	vand.u32 $0x380, v9  }
0xb2: {  	v6 =	vld.idx.msk [tilespmem:v6+s11+$0x0], $0xffff;
	v7 =	vor.u32 v8, v7  }
0xb3: {  	s31 =	sadd.s32 $0x8, s22;
	v7 =	vor.u32 v5, v7  }
0xb4: {  	v8 =	vmov s31  }
0xb5: {  	v9 =	vshll.u32 v8, $0x7  }
0xb6: {  	v8 =	vshll.u32 v8, $0x8;
	v9 =	vor.u32 v3, v9  }
0xb7: {  	[tilespmem:s21+$0xD120] =	vst v6;
	v6 =	vand.u32 $0x7FFFF800, v8;
	v8 =	vand.u32 $0x280, v9  }
0xb8: {  	v7 =	vld.idx.msk [tilespmem:v7+s11+$0x0], $0xffff;
	v6 =	vor.u32 v8, v6  }
0xb9: {  	s1 =	sadd.s32 $0xA, s22;
	v6 =	vor.u32 v5, v6  }
0xba: {  	v8 =	vmov s1  }
0xbb: {  	v9 =	vshll.u32 v8, $0x7  }
0xbc: {  	v8 =	vshll.u32 v8, $0x8;
	v9 =	vor.u32 v3, v9  }
0xbd: {  	[tilespmem:s21+$0xD130] =	vst v7;
	v7 =	vand.u32 $0x7FFFF800, v8;
	v8 =	vand.u32 $0x380, v9  }
0xbe: {  	v6 =	vld.idx.msk [tilespmem:v6+s11+$0x0], $0xffff;
	v7 =	vor.u32 v8, v7  }
0xbf: {  	s24 =	sadd.s32 $0xC, s22;
	v7 =	vor.u32 v5, v7  }
0xc0: {  	v8 =	vmov s24  }
0xc1: {  	v9 =	vshll.u32 v8, $0x7  }
0xc2: {  	v8 =	vshll.u32 v8, $0x8;
	v9 =	vor.u32 v3, v9  }
0xc3: {  	[tilespmem:s21+$0xD140] =	vst v6;
	v6 =	vand.u32 $0x7FFFF800, v8;
	v8 =	vand.u32 $0x280, v9  }
0xc4: {  	v7 =	vld.idx.msk [tilespmem:v7+s11+$0x0], $0xffff;
	v6 =	vor.u32 v8, v6  }
0xc5: {  	s25 =	sadd.s32 $0xE, s22;
	v6 =	vor.u32 v5, v6  }
0xc6: {  	v8 =	vmov s25  }
0xc7: {  	v9 =	vshll.u32 v8, $0x7  }
0xc8: {  	v8 =	vshll.u32 v8, $0x8;
	v9 =	vor.u32 v3, v9  }
0xc9: {  	[tilespmem:s21+$0xD150] =	vst v7;
	v7 =	vand.u32 $0x7FFFF800, v8;
	v8 =	vand.u32 $0x380, v9  }
0xca: {  	v6 =	vld.idx.msk [tilespmem:v6+s11+$0x0], $0xffff;
	v7 =	vor.u32 v8, v7  }
0xcb: {  	s26 =	sadd.s32 $0x10, s22;
	v7 =	vor.u32 v5, v7  }
0xcc: {  	v8 =	vmov s26  }
0xcd: {  	v9 =	vshll.u32 v8, $0x7  }
0xce: {  	v8 =	vshll.u32 v8, $0x8;
	v9 =	vor.u32 v3, v9  }
0xcf: {  	[tilespmem:s21+$0xD160] =	vst v6;
	v6 =	vand.u32 $0x7FFFF800, v8;
	v8 =	vand.u32 $0x280, v9  }
0xd0: {  	v7 =	vld.idx.msk [tilespmem:v7+s11+$0x0], $0xffff;
	v6 =	vor.u32 v8, v6  }
0xd1: {  	s28 =	sadd.s32 $0x12, s22;
	v6 =	vor.u32 v5, v6  }
0xd2: {  	v8 =	vmov s28  }
0xd3: {  	v9 =	vshll.u32 v8, $0x7  }
0xd4: {  	v8 =	vshll.u32 v8, $0x8;
	v9 =	vor.u32 v3, v9  }
0xd5: {  	[tilespmem:s21+$0xD170] =	vst v7;
	v7 =	vand.u32 $0x7FFFF800, v8;
	v8 =	vand.u32 $0x380, v9  }
0xd6: {  	v6 =	vld.idx.msk [tilespmem:v6+s11+$0x0], $0xffff;
	v7 =	vor.u32 v8, v7  }
0xd7: {  	s29 =	sadd.s32 $0x14, s22;
	v7 =	vor.u32 v5, v7  }
0xd8: {  	v8 =	vmov s29  }
0xd9: {  	v9 =	vshll.u32 v8, $0x7  }
0xda: {  	v8 =	vshll.u32 v8, $0x8;
	v9 =	vor.u32 v3, v9  }
0xdb: {  	[tilespmem:s21+$0xD500] =	vst v6;
	v6 =	vand.u32 $0x7FFFF800, v8;
	v8 =	vand.u32 $0x280, v9  }
0xdc: {  	v7 =	vld.idx.msk [tilespmem:v7+s11+$0x0], $0xffff;
	v6 =	vor.u32 v8, v6  }
0xdd: {  	s30 =	sadd.s32 $0x16, s22;
	v6 =	vor.u32 v5, v6  }
0xde: {  	v8 =	vmov s30  }
0xdf: {  	v9 =	vshll.u32 v8, $0x7  }
0xe0: {  	v8 =	vshll.u32 v8, $0x8;
	v9 =	vor.u32 v3, v9  }
0xe1: {  	[tilespmem:s21+$0xD510] =	vst v7;
	v7 =	vand.u32 $0x7FFFF800, v8;
	v8 =	vand.u32 $0x380, v9  }
0xe2: {  	v6 =	vld.idx.msk [tilespmem:v6+s11+$0x0], $0xffff;
	v7 =	vor.u32 v8, v7  }
0xe3: {  	s31 =	sadd.s32 $0x18, s22;
	v7 =	vor.u32 v5, v7  }
0xe4: {  	v8 =	vmov s31  }
0xe5: {  	v9 =	vshll.u32 v8, $0x7  }
0xe6: {  	v8 =	vshll.u32 v8, $0x8;
	v9 =	vor.u32 v3, v9  }
0xe7: {  	[tilespmem:s21+$0xD520] =	vst v6;
	v6 =	vand.u32 $0x7FFFF800, v8;
	v8 =	vand.u32 $0x280, v9  }
0xe8: {  	v7 =	vld.idx.msk [tilespmem:v7+s11+$0x0], $0xffff;
	v6 =	vor.u32 v8, v6  }
0xe9: {  	v6 =	vor.u32 v5, v6  }
0xea: {  	s22 =	sadd.s32 $0x1A, s22  }
0xeb: {  	v8 =	vmov s22  }
0xec: {  	v9 =	vshll.u32 v8, $0x7  }
0xed: {  	s23 =	simm.s32 $0x0;
	s24 =	simm.s32 $0x0;
	[tilespmem:s21+$0xD530] =	vst v7;
	v7 =	vshll.u32 v8, $0x8;
	v8 =	vor.u32 v3, v9  }
0xee: {  	s25 =	simm.s32 $0x2;
	s26 =	simm.s32 $0x0;
	s22 =	simm.s32 $0x0;
	v6 =	vld.idx.msk [tilespmem:v6+s11+$0x0], $0xffff;
	v7 =	vand.u32 $0x7FFFF800, v7;
	v8 =	vand.u32 $0x380, v8  }
.LBB2_2:
0xef: {  	p0 =	sne.s32 s25, $0x37;
	s26 =	smul.u32 $0x1C, s26;
	v7 =	vor.u32 v8, v7  }
0xf0: {  	v5 =	vor.u32 v5, v7  }
0xf1: {  	s26 =	sadd.s32 s3, s26  }
0xf2: {  	v7 =	vmov s26  }
0xf3: {  	v8 =	vshll.u32 v7, $0x7  }
0xf4: {  	s24 =	sadd.s32 $0x8, s24;
	v7 =	vshll.u32 v7, $0x8;
	v8 =	vor.u32 v3, v8;
	[tilespmem:s21+$0xD540] =	vst v6  }
0xf5: {  	s28 =	sand.u32 $0x38, s24;
	v6 =	vand.u32 $0x7FFFF800, v7;
	v7 =	vand.u32 $0x280, v8;
	v8 =	vld.idx.msk [tilespmem:v5+s11+$0x0], $0xffff  }
0xf6: {  	v5 =	vor.u32 s28, v0;
	v6 =	vor.u32 v7, v6  }
0xf7: {  	v6 =	vor.u32 v5, v6  }
0xf8: {  	s28 =	sor.u32 $0x2, s26  }
0xf9: {  	v7 =	vmov s28  }
0xfa: {  	v9 =	vshll.u32 v7, $0x7  }
0xfb: {  	v7 =	vshll.u32 v7, $0x8;
	v9 =	vor.u32 v3, v9;
	[tilespmem:s21+$0xD550] =	vst v8  }
0xfc: {  	v7 =	vand.u32 $0x7FFFF800, v7;
	v8 =	vand.u32 $0x380, v9;
	v6 =	vld.idx.msk [tilespmem:v6+s11+$0x0], $0xffff  }
0xfd: {  	v7 =	vor.u32 v8, v7  }
0xfe: {  	v7 =	vor.u32 v5, v7  }
0xff: {  	s22 =	sadd.s32 $0x80, s22;
	s23 =	sadd.s32 $0x100, s23;
	s21 =	sadd.s32 $0x4, s26  }
0x100: {  	s29 =	sand.u32 $0x380, s22;
	s28 =	sand.u32 $0x3800, s23;
	v8 =	vmov s21  }
0x101: {  	s21 =	sor.u32 s29, s28;
	v9 =	vshll.u32 v8, $0x7  }
0x102: {  	[tilespmem:s21+$0xD100] =	vst v6;
	v6 =	vshll.u32 v8, $0x8;
	v8 =	vor.u32 v3, v9  }
0x103: {  	v7 =	vld.idx.msk [tilespmem:v7+s11+$0x0], $0xffff;
	v6 =	vand.u32 $0x7FFFF800, v6;
	v8 =	vand.u32 $0x280, v8  }
0x104: {  	v6 =	vor.u32 v8, v6  }
0x105: {  	v6 =	vor.u32 v5, v6  }
0x106: {  	s28 =	sadd.s32 $0x6, s26  }
0x107: {  	v8 =	vmov s28  }
0x108: {  	v9 =	vshll.u32 v8, $0x7  }
0x109: {  	[tilespmem:s21+$0xD110] =	vst v7;
	v7 =	vshll.u32 v8, $0x8;
	v8 =	vor.u32 v3, v9  }
0x10a: {  	v6 =	vld.idx.msk [tilespmem:v6+s11+$0x0], $0xffff;
	v7 =	vand.u32 $0x7FFFF800, v7;
	v8 =	vand.u32 $0x380, v8  }
0x10b: {  	v7 =	vor.u32 v8, v7  }
0x10c: {  	v7 =	vor.u32 v5, v7  }
0x10d: {  	s28 =	sadd.s32 $0x8, s26  }
0x10e: {  	v8 =	vmov s28  }
0x10f: {  	v9 =	vshll.u32 v8, $0x7  }
0x110: {  	[tilespmem:s21+$0xD120] =	vst v6;
	v6 =	vshll.u32 v8, $0x8;
	v8 =	vor.u32 v3, v9  }
0x111: {  	v7 =	vld.idx.msk [tilespmem:v7+s11+$0x0], $0xffff;
	v6 =	vand.u32 $0x7FFFF800, v6;
	v8 =	vand.u32 $0x280, v8  }
0x112: {  	v6 =	vor.u32 v8, v6  }
0x113: {  	v6 =	vor.u32 v5, v6  }
0x114: {  	s28 =	sadd.s32 $0xA, s26  }
0x115: {  	v8 =	vmov s28  }
0x116: {  	v9 =	vshll.u32 v8, $0x7  }
0x117: {  	[tilespmem:s21+$0xD130] =	vst v7;
	v7 =	vshll.u32 v8, $0x8;
	v8 =	vor.u32 v3, v9  }
0x118: {  	v6 =	vld.idx.msk [tilespmem:v6+s11+$0x0], $0xffff;
	v7 =	vand.u32 $0x7FFFF800, v7;
	v8 =	vand.u32 $0x380, v8  }
0x119: {  	v7 =	vor.u32 v8, v7  }
0x11a: {  	v7 =	vor.u32 v5, v7  }
0x11b: {  	s28 =	sadd.s32 $0xC, s26  }
0x11c: {  	v8 =	vmov s28  }
0x11d: {  	v9 =	vshll.u32 v8, $0x7  }
0x11e: {  	[tilespmem:s21+$0xD140] =	vst v6;
	v6 =	vshll.u32 v8, $0x8;
	v8 =	vor.u32 v3, v9  }
0x11f: {  	v7 =	vld.idx.msk [tilespmem:v7+s11+$0x0], $0xffff;
	v6 =	vand.u32 $0x7FFFF800, v6;
	v8 =	vand.u32 $0x280, v8  }
0x120: {  	v6 =	vor.u32 v8, v6  }
0x121: {  	v6 =	vor.u32 v5, v6  }
0x122: {  	s28 =	sadd.s32 $0xE, s26  }
0x123: {  	v8 =	vmov s28  }
0x124: {  	v9 =	vshll.u32 v8, $0x7  }
0x125: {  	[tilespmem:s21+$0xD150] =	vst v7;
	v7 =	vshll.u32 v8, $0x8;
	v8 =	vor.u32 v3, v9  }
0x126: {  	v6 =	vld.idx.msk [tilespmem:v6+s11+$0x0], $0xffff;
	v7 =	vand.u32 $0x7FFFF800, v7;
	v8 =	vand.u32 $0x380, v8  }
0x127: {  	v7 =	vor.u32 v8, v7  }
0x128: {  	v7 =	vor.u32 v5, v7  }
0x129: {  	s28 =	sadd.s32 $0x10, s26  }
0x12a: {  	v8 =	vmov s28  }
0x12b: {  	v9 =	vshll.u32 v8, $0x7  }
0x12c: {  	[tilespmem:s21+$0xD160] =	vst v6;
	v6 =	vshll.u32 v8, $0x8;
	v8 =	vor.u32 v3, v9  }
0x12d: {  	v7 =	vld.idx.msk [tilespmem:v7+s11+$0x0], $0xffff;
	v6 =	vand.u32 $0x7FFFF800, v6;
	v8 =	vand.u32 $0x280, v8  }
0x12e: {  	v6 =	vor.u32 v8, v6  }
0x12f: {  	v6 =	vor.u32 v5, v6  }
0x130: {  	s28 =	sadd.s32 $0x12, s26  }
0x131: {  	v8 =	vmov s28  }
0x132: {  	v9 =	vshll.u32 v8, $0x7  }
0x133: {  	[tilespmem:s21+$0xD170] =	vst v7;
	v7 =	vshll.u32 v8, $0x8;
	v8 =	vor.u32 v3, v9  }
0x134: {  	v6 =	vld.idx.msk [tilespmem:v6+s11+$0x0], $0xffff;
	v7 =	vand.u32 $0x7FFFF800, v7;
	v8 =	vand.u32 $0x380, v8  }
0x135: {  	v7 =	vor.u32 v8, v7  }
0x136: {  	v7 =	vor.u32 v5, v7  }
0x137: {  	s28 =	sadd.s32 $0x14, s26  }
0x138: {  	v8 =	vmov s28  }
0x139: {  	v9 =	vshll.u32 v8, $0x7  }
0x13a: {  	[tilespmem:s21+$0xD500] =	vst v6;
	v6 =	vshll.u32 v8, $0x8;
	v8 =	vor.u32 v3, v9  }
0x13b: {  	v7 =	vld.idx.msk [tilespmem:v7+s11+$0x0], $0xffff;
	v6 =	vand.u32 $0x7FFFF800, v6;
	v8 =	vand.u32 $0x280, v8  }
0x13c: {  	v6 =	vor.u32 v8, v6  }
0x13d: {  	v6 =	vor.u32 v5, v6  }
0x13e: {  	s28 =	sadd.s32 $0x16, s26  }
0x13f: {  	v8 =	vmov s28  }
0x140: {  	v9 =	vshll.u32 v8, $0x7  }
0x141: {  	[tilespmem:s21+$0xD510] =	vst v7;
	v7 =	vshll.u32 v8, $0x8;
	v8 =	vor.u32 v3, v9  }
0x142: {  	v6 =	vld.idx.msk [tilespmem:v6+s11+$0x0], $0xffff;
	v7 =	vand.u32 $0x7FFFF800, v7;
	v8 =	vand.u32 $0x380, v8  }
0x143: {  	v7 =	vor.u32 v8, v7  }
0x144: {  	v7 =	vor.u32 v5, v7  }
0x145: {  	s28 =	sadd.s32 $0x18, s26  }
0x146: {  	v8 =	vmov s28  }
0x147: {  	v9 =	vshll.u32 v8, $0x7  }
0x148: {  	[tilespmem:s21+$0xD520] =	vst v6;
	v6 =	vshll.u32 v8, $0x8;
	v8 =	vor.u32 v3, v9  }
0x149: {  	v7 =	vld.idx.msk [tilespmem:v7+s11+$0x0], $0xffff;
	v6 =	vand.u32 $0x7FFFF800, v6;
	v8 =	vand.u32 $0x280, v8  }
0x14a: {  	v6 =	vor.u32 v8, v6  }
0x14b: {  	v6 =	vor.u32 v5, v6  }
.Ltmp0:
0x14c: {  	s26 =	sadd.s32 $0x1A, s26;
	(pc) =	sbr.rel @p0 .LBB2_2-.Ltmp0, $4  }
0x14d: {  	v8 =	vmov s26  }
0x14e: {  	v9 =	vshll.u32 v8, $0x7  }
0x14f: {  	[tilespmem:s21+$0xD530] =	vst v7;
	v7 =	vshll.u32 v8, $0x8;
	v8 =	vor.u32 v3, v9  }
0x150: {  	s26 =	sshrl.u32 s25, $0x3;
	s25 =	sadd.s32 $0x1, s25;
	v6 =	vld.idx.msk [tilespmem:v6+s11+$0x0], $0xffff;
	v7 =	vand.u32 $0x7FFFF800, v7;
	v8 =	vand.u32 $0x380, v8  }
0x151: {  	s25 =	smul.u32 $0x1C, s26  }
0x152: {  	v7 =	vor.u32 v8, v7  }
0x153: {  	v5 =	vor.u32 v5, v7;
	s25 =	sadd.s32 s3, s25  }
0x154: {  	v7 =	vmov s25  }
0x155: {  	v8 =	vshll.u32 v7, $0x7  }
0x156: {  	s24 =	sadd.s32 $0x8, s24;
	v7 =	vshll.u32 v7, $0x8;
	v8 =	vor.u32 v3, v8  }
0x157: {  	s24 =	sand.u32 $0x38, s24;
	[tilespmem:s21+$0xD540] =	vst v6;
	v6 =	vand.u32 $0x7FFFF800, v7;
	v7 =	vand.u32 $0x280, v8  }
0x158: {  	v8 =	vld.idx.msk [tilespmem:v5+s11+$0x0], $0xffff;
	v5 =	vor.u32 s24, v0;
	v6 =	vor.u32 v7, v6  }
0x159: {  	s31 =	sor.u32 $0x2, s25;
	v6 =	vor.u32 v5, v6  }
0x15a: {  	v7 =	vmov s31  }
0x15b: {  	v9 =	vshll.u32 v7, $0x7  }
0x15c: {  	v7 =	vshll.u32 v7, $0x8;
	v9 =	vor.u32 v3, v9  }
0x15d: {  	v7 =	vand.u32 $0x7FFFF800, v7;
	[tilespmem:s21+$0xD550] =	vst v8;
	v8 =	vand.u32 $0x380, v9  }
0x15e: {  	v7 =	vor.u32 v8, v7;
	v6 =	vld.idx.msk [tilespmem:v6+s11+$0x0], $0xffff  }
0x15f: {  	s1 =	sadd.s32 $0x4, s25;
	v7 =	vor.u32 v5, v7  }
0x160: {  	s22 =	sadd.s32 $0x80, s22;
	s23 =	sadd.s32 $0x100, s23;
	v8 =	vmov s1  }
0x161: {  	s23 =	sand.u32 $0x3800, s23;
	s22 =	sand.u32 $0x380, s22;
	v9 =	vshll.u32 v8, $0x7  }
0x162: {  	s22 =	sor.u32 s22, s23;
	v8 =	vshll.u32 v8, $0x8;
	v9 =	vor.u32 v3, v9  }
0x163: {  	[tilespmem:s22+$0xD100] =	vst v6;
	v6 =	vand.u32 $0x7FFFF800, v8;
	v8 =	vand.u32 $0x280, v9  }
0x164: {  	v7 =	vld.idx.msk [tilespmem:v7+s11+$0x0], $0xffff;
	v6 =	vor.u32 v8, v6  }
0x165: {  	s24 =	sadd.s32 $0x6, s25;
	v6 =	vor.u32 v5, v6  }
0x166: {  	v8 =	vmov s24  }
0x167: {  	v9 =	vshll.u32 v8, $0x7  }
0x168: {  	v8 =	vshll.u32 v8, $0x8;
	v9 =	vor.u32 v3, v9  }
0x169: {  	[tilespmem:s22+$0xD110] =	vst v7;
	v7 =	vand.u32 $0x7FFFF800, v8;
	v8 =	vand.u32 $0x380, v9  }
0x16a: {  	v6 =	vld.idx.msk [tilespmem:v6+s11+$0x0], $0xffff;
	v7 =	vor.u32 v8, v7  }
0x16b: {  	s26 =	sadd.s32 $0x8, s25;
	v7 =	vor.u32 v5, v7  }
0x16c: {  	v8 =	vmov s26  }
0x16d: {  	v9 =	vshll.u32 v8, $0x7  }
0x16e: {  	v8 =	vshll.u32 v8, $0x8;
	v9 =	vor.u32 v3, v9  }
0x16f: {  	[tilespmem:s22+$0xD120] =	vst v6;
	v6 =	vand.u32 $0x7FFFF800, v8;
	v8 =	vand.u32 $0x280, v9  }
0x170: {  	v7 =	vld.idx.msk [tilespmem:v7+s11+$0x0], $0xffff;
	v6 =	vor.u32 v8, v6  }
0x171: {  	s31 =	sadd.s32 $0xA, s25;
	v6 =	vor.u32 v5, v6  }
0x172: {  	v8 =	vmov s31  }
0x173: {  	v9 =	vshll.u32 v8, $0x7  }
0x174: {  	v8 =	vshll.u32 v8, $0x8;
	v9 =	vor.u32 v3, v9  }
0x175: {  	[tilespmem:s22+$0xD130] =	vst v7;
	v7 =	vand.u32 $0x7FFFF800, v8;
	v8 =	vand.u32 $0x380, v9  }
0x176: {  	v6 =	vld.idx.msk [tilespmem:v6+s11+$0x0], $0xffff;
	v7 =	vor.u32 v8, v7  }
0x177: {  	s1 =	sadd.s32 $0xC, s25;
	v7 =	vor.u32 v5, v7  }
0x178: {  	v8 =	vmov s1  }
0x179: {  	v9 =	vshll.u32 v8, $0x7  }
0x17a: {  	v8 =	vshll.u32 v8, $0x8;
	v9 =	vor.u32 v3, v9  }
0x17b: {  	[tilespmem:s22+$0xD140] =	vst v6;
	v6 =	vand.u32 $0x7FFFF800, v8;
	v8 =	vand.u32 $0x280, v9  }
0x17c: {  	v7 =	vld.idx.msk [tilespmem:v7+s11+$0x0], $0xffff;
	v6 =	vor.u32 v8, v6  }
0x17d: {  	s23 =	sadd.s32 $0xE, s25;
	v6 =	vor.u32 v5, v6  }
0x17e: {  	v8 =	vmov s23  }
0x17f: {  	v9 =	vshll.u32 v8, $0x7  }
0x180: {  	v8 =	vshll.u32 v8, $0x8;
	v9 =	vor.u32 v3, v9  }
0x181: {  	[tilespmem:s22+$0xD150] =	vst v7;
	v7 =	vand.u32 $0x7FFFF800, v8;
	v8 =	vand.u32 $0x380, v9  }
0x182: {  	v6 =	vld.idx.msk [tilespmem:v6+s11+$0x0], $0xffff;
	v7 =	vor.u32 v8, v7  }
0x183: {  	s24 =	sadd.s32 $0x10, s25;
	v7 =	vor.u32 v5, v7  }
0x184: {  	v8 =	vmov s24  }
0x185: {  	v9 =	vshll.u32 v8, $0x7  }
0x186: {  	v8 =	vshll.u32 v8, $0x8;
	v9 =	vor.u32 v3, v9  }
0x187: {  	[tilespmem:s22+$0xD160] =	vst v6;
	v6 =	vand.u32 $0x7FFFF800, v8;
	v8 =	vand.u32 $0x280, v9  }
0x188: {  	v7 =	vld.idx.msk [tilespmem:v7+s11+$0x0], $0xffff;
	v6 =	vor.u32 v8, v6  }
0x189: {  	s26 =	sadd.s32 $0x12, s25;
	v6 =	vor.u32 v5, v6  }
0x18a: {  	v8 =	vmov s26  }
0x18b: {  	v9 =	vshll.u32 v8, $0x7  }
0x18c: {  	v8 =	vshll.u32 v8, $0x8;
	v9 =	vor.u32 v3, v9  }
0x18d: {  	[tilespmem:s22+$0xD170] =	vst v7;
	v7 =	vand.u32 $0x7FFFF800, v8;
	v8 =	vand.u32 $0x380, v9  }
0x18e: {  	v6 =	vld.idx.msk [tilespmem:v6+s11+$0x0], $0xffff;
	v7 =	vor.u32 v8, v7  }
0x18f: {  	s31 =	sadd.s32 $0x14, s25;
	v7 =	vor.u32 v5, v7  }
0x190: {  	v8 =	vmov s31  }
0x191: {  	v9 =	vshll.u32 v8, $0x7  }
0x192: {  	v8 =	vshll.u32 v8, $0x8;
	v9 =	vor.u32 v3, v9  }
0x193: {  	[tilespmem:s22+$0xD500] =	vst v6;
	v6 =	vand.u32 $0x7FFFF800, v8;
	v8 =	vand.u32 $0x280, v9  }
0x194: {  	v7 =	vld.idx.msk [tilespmem:v7+s11+$0x0], $0xffff;
	v6 =	vor.u32 v8, v6  }
0x195: {  	s1 =	sadd.s32 $0x16, s25;
	v6 =	vor.u32 v5, v6  }
0x196: {  	v8 =	vmov s1  }
0x197: {  	v9 =	vshll.u32 v8, $0x7  }
0x198: {  	v8 =	vshll.u32 v8, $0x8;
	v9 =	vor.u32 v3, v9  }
0x199: {  	[tilespmem:s22+$0xD510] =	vst v7;
	v7 =	vand.u32 $0x7FFFF800, v8;
	v8 =	vand.u32 $0x380, v9  }
0x19a: {  	v6 =	vld.idx.msk [tilespmem:v6+s11+$0x0], $0xffff;
	v7 =	vor.u32 v8, v7  }
0x19b: {  	s23 =	sadd.s32 $0x18, s25;
	v7 =	vor.u32 v5, v7  }
0x19c: {  	v8 =	vmov s23  }
0x19d: {  	v9 =	vshll.u32 v8, $0x7  }
0x19e: {  	v8 =	vshll.u32 v8, $0x8;
	v9 =	vor.u32 v3, v9  }
0x19f: {  	[tilespmem:s22+$0xD520] =	vst v6;
	v6 =	vand.u32 $0x7FFFF800, v8;
	v8 =	vand.u32 $0x280, v9  }
0x1a0: {  	v7 =	vld.idx.msk [tilespmem:v7+s11+$0x0], $0xffff;
	v6 =	vor.u32 v8, v6  }
0x1a1: {  	s24 =	sadd.s32 $0x1A, s25;
	v6 =	vor.u32 v5, v6  }
0x1a2: {  	v8 =	vmov s24  }
0x1a3: {  	v9 =	vshll.u32 v8, $0x7  }
0x1a4: {  	s25 =	simm.s32 $0x0;
	v8 =	vshll.u32 v8, $0x8;
	v9 =	vor.u32 v3, v9  }
0x1a5: {  	s21 =	smul.u32 $0x1C, s25;
	[tilespmem:s22+$0xD530] =	vst v7;
	v7 =	vand.u32 $0x7FFFF800, v8;
	v8 =	vand.u32 $0x380, v9  }
0x1a6: {  	v6 =	vld.idx.msk [tilespmem:v6+s11+$0x0], $0xffff;
	v7 =	vor.u32 v8, v7  }
0x1a7: {  	s24 =	sadd.s32 s3, s21;
	v7 =	vor.u32 v5, v7  }
0x1a8: {  	v5 =	vmov s24  }
0x1a9: {  	s21 =	simm.s32 $0x0;
	v8 =	vshll.u32 v5, $0x7  }
0x1aa: {  	s23 =	sand.u32 $0x38, s21;
	v5 =	vshll.u32 v5, $0x8;
	v8 =	vor.u32 v3, v8  }
0x1ab: {  	s26 =	sor.u32 $0x40, s23;
	v9 =	vand.u32 $0x7FFFF800, v5;
	[tilespmem:s22+$0xD540] =	vst v6;
	v6 =	vand.u32 $0x280, v8  }
0x1ac: {  	v21 =	vor.u32 s26, v0;
	v7 =	vld.idx.msk [tilespmem:v7+s11+$0x0], $0xffff;
	v8 =	vor.u32 v6, v9  }
0x1ad: {  	s31 =	sor.u32 $0x2, s24;
	v8 =	vor.u32 v21, v8  }
0x1ae: {  	v9 =	vmov s31  }
0x1af: {  	v10 =	vshll.u32 v9, $0x7  }
0x1b0: {  	v9 =	vshll.u32 v9, $0x8;
	v10 =	vor.u32 v3, v10  }
0x1b1: {  	[tilespmem:s22+$0xD550] =	vst v7;
	v7 =	vand.u32 $0x7FFFF800, v9;
	v9 =	vand.u32 $0x380, v10  }
0x1b2: {  	v8 =	vld.idx.msk [tilespmem:v8+s11+$0x0], $0xffff;
	v7 =	vor.u32 v9, v7  }
0x1b3: {  	s1 =	sadd.s32 $0x4, s24;
	v9 =	vor.u32 v21, v7  }
0x1b4: {  	v10 =	vmov s1  }
0x1b5: {  	s25 =	sand.u32 $0x3800, s21;
	s26 =	sand.u32 $0x380, s21;
	v11 =	vshll.u32 v10, $0x7  }
0x1b6: {  	s22 =	sor.u32 s26, s25;
	v10 =	vshll.u32 v10, $0x8;
	v11 =	vor.u32 v3, v11  }
0x1b7: {  	[tilespmem:s22+$0x10900] =	vst v8;
	v8 =	vand.u32 $0x7FFFF800, v10;
	v10 =	vand.u32 $0x280, v11  }
0x1b8: {  	v9 =	vld.idx.msk [tilespmem:v9+s11+$0x0], $0xffff;
	v8 =	vor.u32 v10, v8  }
0x1b9: {  	s31 =	sadd.s32 $0x6, s24;
	v10 =	vor.u32 v21, v8  }
0x1ba: {  	v11 =	vmov s31  }
0x1bb: {  	v12 =	vshll.u32 v11, $0x7  }
0x1bc: {  	s25 =	sadd.s32 $0x10900, s22;
	v11 =	vshll.u32 v11, $0x8;
	v12 =	vor.u32 v3, v12  }
0x1bd: {  	[tilespmem:s25+$0x10] =	vst v9;
	v9 =	vand.u32 $0x7FFFF800, v11;
	v11 =	vand.u32 $0x380, v12  }
0x1be: {  	v10 =	vld.idx.msk [tilespmem:v10+s11+$0x0], $0xffff;
	v9 =	vor.u32 v11, v9  }
0x1bf: {  	s1 =	sadd.s32 $0x8, s24;
	v11 =	vor.u32 v21, v9  }
0x1c0: {  	v12 =	vmov s1  }
0x1c1: {  	v13 =	vshll.u32 v12, $0x7  }
0x1c2: {  	v12 =	vshll.u32 v12, $0x8;
	v13 =	vor.u32 v3, v13  }
0x1c3: {  	[tilespmem:s25+$0x20] =	vst v10;
	v10 =	vand.u32 $0x7FFFF800, v12;
	v12 =	vand.u32 $0x280, v13  }
0x1c4: {  	v11 =	vld.idx.msk [tilespmem:v11+s11+$0x0], $0xffff;
	v10 =	vor.u32 v12, v10  }
0x1c5: {  	s31 =	sadd.s32 $0xA, s24;
	v12 =	vor.u32 v21, v10  }
0x1c6: {  	v13 =	vmov s31  }
0x1c7: {  	v14 =	vshll.u32 v13, $0x7  }
0x1c8: {  	v13 =	vshll.u32 v13, $0x8;
	v14 =	vor.u32 v3, v14  }
0x1c9: {  	[tilespmem:s25+$0x30] =	vst v11;
	v11 =	vand.u32 $0x7FFFF800, v13;
	v13 =	vand.u32 $0x380, v14  }
0x1ca: {  	v12 =	vld.idx.msk [tilespmem:v12+s11+$0x0], $0xffff;
	v11 =	vor.u32 v13, v11  }
0x1cb: {  	s1 =	sadd.s32 $0xC, s24;
	v13 =	vor.u32 v21, v11  }
0x1cc: {  	v14 =	vmov s1  }
0x1cd: {  	v15 =	vshll.u32 v14, $0x7  }
0x1ce: {  	v14 =	vshll.u32 v14, $0x8;
	v15 =	vor.u32 v3, v15  }
0x1cf: {  	[tilespmem:s25+$0x40] =	vst v12;
	v12 =	vand.u32 $0x7FFFF800, v14;
	v14 =	vand.u32 $0x280, v15  }
0x1d0: {  	v13 =	vld.idx.msk [tilespmem:v13+s11+$0x0], $0xffff;
	v12 =	vor.u32 v14, v12  }
0x1d1: {  	s31 =	sadd.s32 $0xE, s24;
	v14 =	vor.u32 v21, v12  }
0x1d2: {  	v15 =	vmov s31  }
0x1d3: {  	v16 =	vshll.u32 v15, $0x7  }
0x1d4: {  	v15 =	vshll.u32 v15, $0x8;
	v16 =	vor.u32 v3, v16  }
0x1d5: {  	[tilespmem:s25+$0x50] =	vst v13;
	v13 =	vand.u32 $0x7FFFF800, v15;
	v15 =	vand.u32 $0x380, v16  }
0x1d6: {  	v14 =	vld.idx.msk [tilespmem:v14+s11+$0x0], $0xffff;
	v13 =	vor.u32 v15, v13  }
0x1d7: {  	s1 =	sadd.s32 $0x10, s24;
	v15 =	vor.u32 v21, v13  }
0x1d8: {  	v16 =	vmov s1  }
0x1d9: {  	v17 =	vshll.u32 v16, $0x7  }
0x1da: {  	v16 =	vshll.u32 v16, $0x8;
	v17 =	vor.u32 v3, v17  }
0x1db: {  	[tilespmem:s25+$0x60] =	vst v14;
	v14 =	vand.u32 $0x7FFFF800, v16;
	v16 =	vand.u32 $0x280, v17  }
0x1dc: {  	v15 =	vld.idx.msk [tilespmem:v15+s11+$0x0], $0xffff;
	v14 =	vor.u32 v16, v14  }
0x1dd: {  	s31 =	sadd.s32 $0x12, s24;
	v16 =	vor.u32 v21, v14  }
0x1de: {  	v17 =	vmov s31  }
0x1df: {  	v18 =	vshll.u32 v17, $0x7  }
0x1e0: {  	v17 =	vshll.u32 v17, $0x8;
	v18 =	vor.u32 v3, v18  }
0x1e1: {  	[tilespmem:s25+$0x70] =	vst v15;
	v15 =	vand.u32 $0x7FFFF800, v17;
	v17 =	vand.u32 $0x380, v18  }
0x1e2: {  	v16 =	vld.idx.msk [tilespmem:v16+s11+$0x0], $0xffff;
	v15 =	vor.u32 v17, v15  }
0x1e3: {  	s1 =	sadd.s32 $0x14, s24;
	v17 =	vor.u32 v21, v15  }
0x1e4: {  	v18 =	vmov s1  }
0x1e5: {  	v19 =	vshll.u32 v18, $0x7  }
0x1e6: {  	v18 =	vshll.u32 v18, $0x8;
	v19 =	vor.u32 v3, v19  }
0x1e7: {  	[tilespmem:s22+$0x10D00] =	vst v16;
	v16 =	vand.u32 $0x7FFFF800, v18;
	v18 =	vand.u32 $0x280, v19  }
0x1e8: {  	v17 =	vld.idx.msk [tilespmem:v17+s11+$0x0], $0xffff;
	v16 =	vor.u32 v18, v16  }
0x1e9: {  	s26 =	sadd.s32 $0x16, s24;
	v18 =	vor.u32 v21, v16  }
0x1ea: {  	v19 =	vmov s26  }
0x1eb: {  	v20 =	vshll.u32 v19, $0x7  }
0x1ec: {  	s30 =	sadd.s32 $0x10D00, s22;
	v19 =	vshll.u32 v19, $0x8;
	v20 =	vor.u32 v3, v20  }
0x1ed: {  	[tilespmem:s30+$0x10] =	vst v17;
	v17 =	vand.u32 $0x7FFFF800, v19;
	v19 =	vand.u32 $0x380, v20  }
0x1ee: {  	v18 =	vld.idx.msk [tilespmem:v18+s11+$0x0], $0xffff;
	v17 =	vor.u32 v19, v17  }
0x1ef: {  	s31 =	sadd.s32 $0x18, s24;
	v19 =	vor.u32 v21, v17  }
0x1f0: {  	v20 =	vmov s31  }
0x1f1: {  	v22 =	vshll.u32 v20, $0x7  }
0x1f2: {  	v20 =	vshll.u32 v20, $0x8;
	v22 =	vor.u32 v3, v22  }
0x1f3: {  	[tilespmem:s30+$0x20] =	vst v18;
	v18 =	vand.u32 $0x7FFFF800, v20;
	v20 =	vand.u32 $0x280, v22  }
0x1f4: {  	v19 =	vld.idx.msk [tilespmem:v19+s11+$0x0], $0xffff;
	v18 =	vor.u32 v20, v18  }
0x1f5: {  	v22 =	vor.u32 v21, v18  }
0x1f6: {  	s24 =	sadd.s32 $0x1A, s24  }
0x1f7: {  	v20 =	vmov s24  }
0x1f8: {  	v23 =	vshll.u32 v20, $0x7  }
0x1f9: {  	s29 =	simm.s32 $0x0;
	s28 =	simm.s32 $0x2;
	[tilespmem:s30+$0x30] =	vst v19;
	v19 =	vshll.u32 v20, $0x8;
	v20 =	vor.u32 v3, v23  }
0x1fa: {  	s25 =	simm.s32 $0x0;
	s26 =	simm.s32 $0x0;
	s24 =	simm.s32 $0x0;
	v22 =	vld.idx.msk [tilespmem:v22+s11+$0x0], $0xffff;
	v23 =	vand.u32 $0x7FFFF800, v19;
	v24 =	vand.u32 $0x380, v20  }
.LBB2_4:
0x1fb: {  	p0 =	sne.s32 s28, $0x37;
	s29 =	smul.u32 $0x1C, s29;
	v23 =	vor.u32 v24, v23  }
0x1fc: {  	v21 =	vor.u32 v21, v23  }
0x1fd: {  	s29 =	sadd.s32 s3, s29  }
0x1fe: {  	v23 =	vmov s29  }
0x1ff: {  	s26 =	sadd.s32 $0x8, s26;
	v24 =	vshll.u32 v23, $0x7  }
0x200: {  	s31 =	sand.u32 $0x38, s26;
	v23 =	vshll.u32 v23, $0x8;
	v24 =	vor.u32 v3, v24;
	[tilespmem:s30+$0x40] =	vst v22  }
0x201: {  	s31 =	sor.u32 $0x40, s31;
	v22 =	vand.u32 $0x7FFFF800, v23;
	v23 =	vand.u32 $0x280, v24;
	v24 =	vld.idx.msk [tilespmem:v21+s11+$0x0], $0xffff  }
0x202: {  	v21 =	vor.u32 s31, v0;
	v22 =	vor.u32 v23, v22  }
0x203: {  	v22 =	vor.u32 v21, v22  }
0x204: {  	s31 =	sor.u32 $0x2, s29  }
0x205: {  	v23 =	vmov s31  }
0x206: {  	v25 =	vshll.u32 v23, $0x7  }
0x207: {  	v23 =	vshll.u32 v23, $0x8;
	v25 =	vor.u32 v3, v25;
	[tilespmem:s30+$0x50] =	vst v24  }
0x208: {  	v23 =	vand.u32 $0x7FFFF800, v23;
	v24 =	vand.u32 $0x380, v25;
	v22 =	vld.idx.msk [tilespmem:v22+s11+$0x0], $0xffff  }
0x209: {  	v23 =	vor.u32 v24, v23  }
0x20a: {  	v23 =	vor.u32 v21, v23  }
0x20b: {  	s24 =	sadd.s32 $0x80, s24;
	s25 =	sadd.s32 $0x100, s25;
	s30 =	sadd.s32 $0x4, s29  }
0x20c: {  	s1 =	sand.u32 $0x380, s24;
	s31 =	sand.u32 $0x3800, s25;
	v24 =	vmov s30  }
0x20d: {  	s30 =	sor.u32 s1, s31;
	v25 =	vshll.u32 v24, $0x7  }
0x20e: {  	[tilespmem:s30+$0x10900] =	vst v22;
	v22 =	vshll.u32 v24, $0x8;
	v24 =	vor.u32 v3, v25  }
0x20f: {  	v23 =	vld.idx.msk [tilespmem:v23+s11+$0x0], $0xffff;
	v22 =	vand.u32 $0x7FFFF800, v22;
	v24 =	vand.u32 $0x280, v24  }
0x210: {  	v22 =	vor.u32 v24, v22  }
0x211: {  	v22 =	vor.u32 v21, v22  }
0x212: {  	s1 =	sadd.s32 $0x6, s29  }
0x213: {  	v24 =	vmov s1  }
0x214: {  	s31 =	sadd.s32 $0x10900, s30;
	v25 =	vshll.u32 v24, $0x7  }
0x215: {  	[tilespmem:s31+$0x10] =	vst v23;
	v23 =	vshll.u32 v24, $0x8;
	v24 =	vor.u32 v3, v25  }
0x216: {  	v22 =	vld.idx.msk [tilespmem:v22+s11+$0x0], $0xffff;
	v23 =	vand.u32 $0x7FFFF800, v23;
	v24 =	vand.u32 $0x380, v24  }
0x217: {  	v23 =	vor.u32 v24, v23  }
0x218: {  	v23 =	vor.u32 v21, v23  }
0x219: {  	s1 =	sadd.s32 $0x8, s29  }
0x21a: {  	v24 =	vmov s1  }
0x21b: {  	v25 =	vshll.u32 v24, $0x7  }
0x21c: {  	[tilespmem:s31+$0x20] =	vst v22;
	v22 =	vshll.u32 v24, $0x8;
	v24 =	vor.u32 v3, v25  }
0x21d: {  	v23 =	vld.idx.msk [tilespmem:v23+s11+$0x0], $0xffff;
	v22 =	vand.u32 $0x7FFFF800, v22;
	v24 =	vand.u32 $0x280, v24  }
0x21e: {  	v22 =	vor.u32 v24, v22  }
0x21f: {  	v22 =	vor.u32 v21, v22  }
0x220: {  	s1 =	sadd.s32 $0xA, s29  }
0x221: {  	v24 =	vmov s1  }
0x222: {  	v25 =	vshll.u32 v24, $0x7  }
0x223: {  	[tilespmem:s31+$0x30] =	vst v23;
	v23 =	vshll.u32 v24, $0x8;
	v24 =	vor.u32 v3, v25  }
0x224: {  	v22 =	vld.idx.msk [tilespmem:v22+s11+$0x0], $0xffff;
	v23 =	vand.u32 $0x7FFFF800, v23;
	v24 =	vand.u32 $0x380, v24  }
0x225: {  	v23 =	vor.u32 v24, v23  }
0x226: {  	v23 =	vor.u32 v21, v23  }
0x227: {  	s1 =	sadd.s32 $0xC, s29  }
0x228: {  	v24 =	vmov s1  }
0x229: {  	v25 =	vshll.u32 v24, $0x7  }
0x22a: {  	[tilespmem:s31+$0x40] =	vst v22;
	v22 =	vshll.u32 v24, $0x8;
	v24 =	vor.u32 v3, v25  }
0x22b: {  	v23 =	vld.idx.msk [tilespmem:v23+s11+$0x0], $0xffff;
	v22 =	vand.u32 $0x7FFFF800, v22;
	v24 =	vand.u32 $0x280, v24  }
0x22c: {  	v22 =	vor.u32 v24, v22  }
0x22d: {  	v22 =	vor.u32 v21, v22  }
0x22e: {  	s1 =	sadd.s32 $0xE, s29  }
0x22f: {  	v24 =	vmov s1  }
0x230: {  	v25 =	vshll.u32 v24, $0x7  }
0x231: {  	[tilespmem:s31+$0x50] =	vst v23;
	v23 =	vshll.u32 v24, $0x8;
	v24 =	vor.u32 v3, v25  }
0x232: {  	v22 =	vld.idx.msk [tilespmem:v22+s11+$0x0], $0xffff;
	v23 =	vand.u32 $0x7FFFF800, v23;
	v24 =	vand.u32 $0x380, v24  }
0x233: {  	v23 =	vor.u32 v24, v23  }
0x234: {  	v23 =	vor.u32 v21, v23  }
0x235: {  	s1 =	sadd.s32 $0x10, s29  }
0x236: {  	v24 =	vmov s1  }
0x237: {  	v25 =	vshll.u32 v24, $0x7  }
0x238: {  	[tilespmem:s31+$0x60] =	vst v22;
	v22 =	vshll.u32 v24, $0x8;
	v24 =	vor.u32 v3, v25  }
0x239: {  	v23 =	vld.idx.msk [tilespmem:v23+s11+$0x0], $0xffff;
	v22 =	vand.u32 $0x7FFFF800, v22;
	v24 =	vand.u32 $0x280, v24  }
0x23a: {  	v22 =	vor.u32 v24, v22  }
0x23b: {  	v22 =	vor.u32 v21, v22  }
0x23c: {  	s1 =	sadd.s32 $0x12, s29  }
0x23d: {  	v24 =	vmov s1  }
0x23e: {  	v25 =	vshll.u32 v24, $0x7  }
0x23f: {  	[tilespmem:s31+$0x70] =	vst v23;
	v23 =	vshll.u32 v24, $0x8;
	v24 =	vor.u32 v3, v25  }
0x240: {  	v22 =	vld.idx.msk [tilespmem:v22+s11+$0x0], $0xffff;
	v23 =	vand.u32 $0x7FFFF800, v23;
	v24 =	vand.u32 $0x380, v24  }
0x241: {  	v23 =	vor.u32 v24, v23  }
0x242: {  	v23 =	vor.u32 v21, v23  }
0x243: {  	s1 =	sadd.s32 $0x14, s29  }
0x244: {  	v24 =	vmov s1  }
0x245: {  	v25 =	vshll.u32 v24, $0x7  }
0x246: {  	[tilespmem:s30+$0x10D00] =	vst v22;
	v22 =	vshll.u32 v24, $0x8;
	v24 =	vor.u32 v3, v25  }
0x247: {  	v23 =	vld.idx.msk [tilespmem:v23+s11+$0x0], $0xffff;
	v22 =	vand.u32 $0x7FFFF800, v22;
	v24 =	vand.u32 $0x280, v24  }
0x248: {  	v22 =	vor.u32 v24, v22  }
0x249: {  	v22 =	vor.u32 v21, v22  }
0x24a: {  	s1 =	sadd.s32 $0x16, s29  }
0x24b: {  	v24 =	vmov s1  }
0x24c: {  	s30 =	sadd.s32 $0x10D00, s30;
	v25 =	vshll.u32 v24, $0x7  }
0x24d: {  	[tilespmem:s30+$0x10] =	vst v23;
	v23 =	vshll.u32 v24, $0x8;
	v24 =	vor.u32 v3, v25  }
0x24e: {  	v22 =	vld.idx.msk [tilespmem:v22+s11+$0x0], $0xffff;
	v23 =	vand.u32 $0x7FFFF800, v23;
	v24 =	vand.u32 $0x380, v24  }
0x24f: {  	v23 =	vor.u32 v24, v23  }
0x250: {  	v23 =	vor.u32 v21, v23  }
0x251: {  	s1 =	sadd.s32 $0x18, s29  }
0x252: {  	v24 =	vmov s1  }
0x253: {  	v25 =	vshll.u32 v24, $0x7  }
0x254: {  	[tilespmem:s30+$0x20] =	vst v22;
	v22 =	vshll.u32 v24, $0x8;
	v24 =	vor.u32 v3, v25  }
0x255: {  	v23 =	vld.idx.msk [tilespmem:v23+s11+$0x0], $0xffff;
	v22 =	vand.u32 $0x7FFFF800, v22;
	v24 =	vand.u32 $0x280, v24  }
0x256: {  	v22 =	vor.u32 v24, v22  }
0x257: {  	v22 =	vor.u32 v21, v22  }
.Ltmp1:
0x258: {  	s1 =	sadd.s32 $0x1A, s29;
	(pc) =	sbr.rel @p0 .LBB2_4-.Ltmp1, $4  }
0x259: {  	v24 =	vmov s1  }
0x25a: {  	v25 =	vshll.u32 v24, $0x7  }
0x25b: {  	[tilespmem:s30+$0x30] =	vst v23;
	v23 =	vshll.u32 v24, $0x8;
	v24 =	vor.u32 v3, v25  }
0x25c: {  	s29 =	sshrl.u32 s28, $0x3;
	s28 =	sadd.s32 $0x1, s28;
	v22 =	vld.idx.msk [tilespmem:v22+s11+$0x0], $0xffff;
	v23 =	vand.u32 $0x7FFFF800, v23;
	v24 =	vand.u32 $0x380, v24  }
0x25d: {  	s1 =	smul.u32 $0x1C, s29  }
0x25e: {  	v23 =	vor.u32 v24, v23  }
0x25f: {  	v21 =	vor.u32 v21, v23;
	s28 =	sadd.s32 s3, s1  }
0x260: {  	v23 =	vmov s28  }
0x261: {  	s26 =	sadd.s32 $0x8, s26;
	v61 =	vshll.u32 v23, $0x7  }
0x262: {  	s1 =	sand.u32 $0x38, s26;
	v23 =	vshll.u32 v23, $0x8;
	v24 =	vor.u32 v3, v61  }
0x263: {  	s1 =	sor.u32 $0x40, s1;
	[tilespmem:s30+$0x40] =	vst v22;
	v22 =	vand.u32 $0x7FFFF800, v23;
	v23 =	vand.u32 $0x280, v24  }
0x264: {  	v62 =	vld.idx.msk [tilespmem:v21+s11+$0x0], $0xffff;
	v21 =	vor.u32 s1, v0;
	v22 =	vor.u32 v23, v22  }
0x265: {  	s29 =	sor.u32 $0x2, s28;
	v22 =	vor.u32 v21, v22  }
0x266: {  	v23 =	vmov s29  }
0x267: {  	v25 =	vshll.u32 v23, $0x7  }
0x268: {  	v23 =	vshll.u32 v23, $0x8;
	v25 =	vor.u32 v3, v25  }
0x269: {  	v23 =	vand.u32 $0x7FFFF800, v23;
	v63 =	vand.u32 $0x380, v25;
	[tilespmem:s30+$0x50] =	vst v62  }
0x26a: {  	v23 =	vor.u32 v63, v23;
	v22 =	vld.idx.msk [tilespmem:v22+s11+$0x0], $0xffff  }
0x26b: {  	s31 =	sadd.s32 $0x4, s28;
	v23 =	vor.u32 v21, v23  }
0x26c: {  	s24 =	sadd.s32 $0x80, s24;
	s25 =	sadd.s32 $0x100, s25;
	v28 =	vmov s31  }
0x26d: {  	s25 =	sand.u32 $0x3800, s25;
	s24 =	sand.u32 $0x380, s24;
	v29 =	vshll.u32 v28, $0x7  }
0x26e: {  	s24 =	sor.u32 s24, s25;
	v24 =	vshll.u32 v28, $0x8;
	v25 =	vor.u32 v3, v29  }
0x26f: {  	v30 =	vand.u32 $0x280, v25;
	[tilespmem:s24+$0x10900] =	vst v22;
	v22 =	vand.u32 $0x7FFFF800, v24  }
0x270: {  	v23 =	vld.idx.msk [tilespmem:v23+s11+$0x0], $0xffff;
	v22 =	vor.u32 v30, v22  }
0x271: {  	s26 =	sadd.s32 $0x6, s28;
	v22 =	vor.u32 v21, v22  }
0x272: {  	v31 =	vmov s26  }
0x273: {  	v32 =	vshll.u32 v31, $0x7  }
0x274: {  	s25 =	sadd.s32 $0x10900, s24;
	v25 =	vor.u32 v3, v32;
	v24 =	vshll.u32 v31, $0x8  }
0x275: {  	v33 =	vand.u32 $0x380, v25;
	[tilespmem:s25+$0x10] =	vst v23;
	v23 =	vand.u32 $0x7FFFF800, v24  }
0x276: {  	v22 =	vld.idx.msk [tilespmem:v22+s11+$0x0], $0xffff;
	v23 =	vor.u32 v33, v23  }
0x277: {  	s29 =	sadd.s32 $0x8, s28;
	v23 =	vor.u32 v21, v23  }
0x278: {  	v34 =	vmov s29  }
0x279: {  	v35 =	vshll.u32 v34, $0x7  }
0x27a: {  	v25 =	vor.u32 v3, v35;
	v24 =	vshll.u32 v34, $0x8  }
0x27b: {  	v36 =	vand.u32 $0x280, v25;
	[tilespmem:s25+$0x20] =	vst v22;
	v22 =	vand.u32 $0x7FFFF800, v24  }
0x27c: {  	v23 =	vld.idx.msk [tilespmem:v23+s11+$0x0], $0xffff;
	v22 =	vor.u32 v36, v22  }
0x27d: {  	s30 =	sadd.s32 $0xA, s28;
	v22 =	vor.u32 v21, v22  }
0x27e: {  	v37 =	vmov s30  }
0x27f: {  	v38 =	vshll.u32 v37, $0x7  }
0x280: {  	v25 =	vor.u32 v3, v38;
	v24 =	vshll.u32 v37, $0x8  }
0x281: {  	v39 =	vand.u32 $0x380, v25;
	[tilespmem:s25+$0x30] =	vst v23;
	v23 =	vand.u32 $0x7FFFF800, v24  }
0x282: {  	v22 =	vld.idx.msk [tilespmem:v22+s11+$0x0], $0xffff;
	v23 =	vor.u32 v39, v23  }
0x283: {  	s31 =	sadd.s32 $0xC, s28;
	v23 =	vor.u32 v21, v23  }
0x284: {  	v40 =	vmov s31  }
0x285: {  	v41 =	vshll.u32 v40, $0x7  }
0x286: {  	v25 =	vor.u32 v3, v41;
	v24 =	vshll.u32 v40, $0x8  }
0x287: {  	v42 =	vand.u32 $0x280, v25;
	[tilespmem:s25+$0x40] =	vst v22;
	v22 =	vand.u32 $0x7FFFF800, v24  }
0x288: {  	v23 =	vld.idx.msk [tilespmem:v23+s11+$0x0], $0xffff;
	v22 =	vor.u32 v42, v22  }
0x289: {  	s26 =	sadd.s32 $0xE, s28;
	v22 =	vor.u32 v21, v22  }
0x28a: {  	v43 =	vmov s26  }
0x28b: {  	v44 =	vshll.u32 v43, $0x7  }
0x28c: {  	v25 =	vor.u32 v3, v44;
	v24 =	vshll.u32 v43, $0x8  }
0x28d: {  	v45 =	vand.u32 $0x380, v25;
	[tilespmem:s25+$0x50] =	vst v23;
	v23 =	vand.u32 $0x7FFFF800, v24  }
0x28e: {  	v22 =	vld.idx.msk [tilespmem:v22+s11+$0x0], $0xffff;
	v23 =	vor.u32 v45, v23  }
0x28f: {  	s29 =	sadd.s32 $0x10, s28;
	v23 =	vor.u32 v21, v23  }
0x290: {  	v46 =	vmov s29  }
0x291: {  	v47 =	vshll.u32 v46, $0x7  }
0x292: {  	v25 =	vor.u32 v3, v47;
	v24 =	vshll.u32 v46, $0x8  }
0x293: {  	v48 =	vand.u32 $0x280, v25;
	[tilespmem:s25+$0x60] =	vst v22;
	v22 =	vand.u32 $0x7FFFF800, v24  }
0x294: {  	v23 =	vld.idx.msk [tilespmem:v23+s11+$0x0], $0xffff;
	v22 =	vor.u32 v48, v22  }
0x295: {  	s30 =	sadd.s32 $0x12, s28;
	v22 =	vor.u32 v21, v22  }
0x296: {  	v49 =	vmov s30  }
0x297: {  	v50 =	vshll.u32 v49, $0x7  }
0x298: {  	v25 =	vor.u32 v3, v50;
	v24 =	vshll.u32 v49, $0x8  }
0x299: {  	v51 =	vand.u32 $0x380, v25;
	[tilespmem:s25+$0x70] =	vst v23;
	v23 =	vand.u32 $0x7FFFF800, v24  }
0x29a: {  	v22 =	vld.idx.msk [tilespmem:v22+s11+$0x0], $0xffff;
	v23 =	vor.u32 v51, v23  }
0x29b: {  	s31 =	sadd.s32 $0x14, s28;
	v23 =	vor.u32 v21, v23  }
0x29c: {  	v52 =	vmov s31  }
0x29d: {  	v53 =	vshll.u32 v52, $0x7  }
0x29e: {  	v25 =	vor.u32 v3, v53;
	v24 =	vshll.u32 v52, $0x8  }
0x29f: {  	v54 =	vand.u32 $0x280, v25;
	[tilespmem:s24+$0x10D00] =	vst v22;
	v22 =	vand.u32 $0x7FFFF800, v24  }
0x2a0: {  	v23 =	vld.idx.msk [tilespmem:v23+s11+$0x0], $0xffff;
	v22 =	vor.u32 v54, v22  }
0x2a1: {  	s25 =	sadd.s32 $0x16, s28;
	v22 =	vor.u32 v21, v22  }
0x2a2: {  	v55 =	vmov s25  }
0x2a3: {  	v56 =	vshll.u32 v55, $0x7  }
0x2a4: {  	s26 =	sadd.s32 $0x10D00, s24;
	v25 =	vor.u32 v3, v56;
	v24 =	vshll.u32 v55, $0x8  }
0x2a5: {  	v57 =	vand.u32 $0x380, v25;
	[tilespmem:s26+$0x10] =	vst v23;
	v23 =	vand.u32 $0x7FFFF800, v24  }
0x2a6: {  	v22 =	vld.idx.msk [tilespmem:v22+s11+$0x0], $0xffff;
	v23 =	vor.u32 v57, v23  }
0x2a7: {  	s29 =	sadd.s32 $0x18, s28;
	v23 =	vor.u32 v21, v23  }
0x2a8: {  	v58 =	vmov s29  }
0x2a9: {  	v59 =	vshll.u32 v58, $0x7  }
0x2aa: {  	v25 =	vor.u32 v3, v59;
	v24 =	vshll.u32 v58, $0x8  }
0x2ab: {  	v60 =	vand.u32 $0x280, v25;
	[tilespmem:s26+$0x20] =	vst v22;
	v22 =	vand.u32 $0x7FFFF800, v24  }
0x2ac: {  	v23 =	vld.idx.msk [tilespmem:v23+s11+$0x0], $0xffff;
	v22 =	vor.u32 v60, v22  }
0x2ad: {  	s30 =	sadd.s32 $0x1A, s28;
	v22 =	vor.u32 v21, v22  }
0x2ae: {  	v61 =	vmov s30  }
0x2af: {  	v62 =	vshll.u32 v61, $0x7  }
0x2b0: {  	v25 =	vor.u32 v3, v62;
	v24 =	vshll.u32 v61, $0x8  }
0x2b1: {  	v63 =	vand.u32 $0x380, v25;
	[tilespmem:s26+$0x30] =	vst v23;
	v23 =	vand.u32 $0x7FFFF800, v24  }
0x2b2: {  	v22 =	vld.idx.msk [tilespmem:v22+s11+$0x0], $0xffff;
	v23 =	vor.u32 v63, v23  }
0x2b3: {  	v21 =	vor.u32 v21, v23;
	_ =	sdelay $0x3  }
0x2b4: {  	[tilespmem:s26+$0x40] =	vst v22  }
0x2b5: {  	v5 =	vor.u32 v6, v5;
	v22 =	vld.idx.msk [tilespmem:v21+s11+$0x0], $0xffff;
	v21 =	vor.u32 s23, v4  }
0x2b6: {  	v5 =	vor.u32 v21, v5;
	_ =	sdelay $0x3  }
0x2b7: {  	[tilespmem:s26+$0x50] =	vst v22  }
0x2b8: {  	v5 =	vld.idx.msk [tilespmem:v5+s11+$0x0], $0xffff  }
0x2b9: {  	v6 =	vor.u32 v21, v7;
	_ =	sdelay $0x3  }
0x2ba: {  	[tilespmem:s22+$0x14100] =	vst v5  }
0x2bb: {  	v5 =	vld.idx.msk [tilespmem:v6+s11+$0x0], $0xffff  }
0x2bc: {  	v6 =	vor.u32 v21, v8;
	_ =	sdelay $0x2  }
0x2bd: {  	s31 =	sadd.s32 $0x14100, s22  }
0x2be: {  	[tilespmem:s31+$0x10] =	vst v5  }
0x2bf: {  	v5 =	vld.idx.msk [tilespmem:v6+s11+$0x0], $0xffff  }
0x2c0: {  	v6 =	vor.u32 v21, v9;
	_ =	sdelay $0x3  }
0x2c1: {  	[tilespmem:s31+$0x20] =	vst v5  }
0x2c2: {  	v5 =	vld.idx.msk [tilespmem:v6+s11+$0x0], $0xffff  }
0x2c3: {  	v6 =	vor.u32 v21, v10;
	_ =	sdelay $0x3  }
0x2c4: {  	[tilespmem:s31+$0x30] =	vst v5  }
0x2c5: {  	v5 =	vld.idx.msk [tilespmem:v6+s11+$0x0], $0xffff  }
0x2c6: {  	v6 =	vor.u32 v21, v11;
	_ =	sdelay $0x3  }
0x2c7: {  	[tilespmem:s31+$0x40] =	vst v5  }
0x2c8: {  	v5 =	vld.idx.msk [tilespmem:v6+s11+$0x0], $0xffff  }
0x2c9: {  	v6 =	vor.u32 v21, v12;
	_ =	sdelay $0x3  }
0x2ca: {  	[tilespmem:s31+$0x50] =	vst v5  }
0x2cb: {  	v5 =	vld.idx.msk [tilespmem:v6+s11+$0x0], $0xffff  }
0x2cc: {  	v6 =	vor.u32 v21, v13;
	_ =	sdelay $0x3  }
0x2cd: {  	[tilespmem:s31+$0x60] =	vst v5  }
0x2ce: {  	v5 =	vld.idx.msk [tilespmem:v6+s11+$0x0], $0xffff  }
0x2cf: {  	v6 =	vor.u32 v21, v14;
	_ =	sdelay $0x3  }
0x2d0: {  	[tilespmem:s31+$0x70] =	vst v5  }
0x2d1: {  	v5 =	vld.idx.msk [tilespmem:v6+s11+$0x0], $0xffff  }
0x2d2: {  	v6 =	vor.u32 v21, v15;
	_ =	sdelay $0x3  }
0x2d3: {  	[tilespmem:s22+$0x14500] =	vst v5  }
0x2d4: {  	v5 =	vld.idx.msk [tilespmem:v6+s11+$0x0], $0xffff  }
0x2d5: {  	v6 =	vor.u32 v21, v16;
	_ =	sdelay $0x2  }
0x2d6: {  	s26 =	sadd.s32 $0x14500, s22  }
0x2d7: {  	[tilespmem:s26+$0x10] =	vst v5  }
0x2d8: {  	v5 =	vld.idx.msk [tilespmem:v6+s11+$0x0], $0xffff  }
0x2d9: {  	v6 =	vor.u32 v21, v17;
	_ =	sdelay $0x3  }
0x2da: {  	[tilespmem:s26+$0x20] =	vst v5  }
0x2db: {  	v5 =	vld.idx.msk [tilespmem:v6+s11+$0x0], $0xffff  }
0x2dc: {  	v6 =	vor.u32 v21, v18;
	_ =	sdelay $0x3  }
0x2dd: {  	s25 =	simm.s32 $0x0;
	[tilespmem:s26+$0x30] =	vst v5  }
0x2de: {  	s24 =	simm.s32 $0x2;
	s23 =	simm.s32 $0x0;
	v7 =	vand.u32 $0x380, v20;
	s22 =	simm.s32 $0x0;
	v5 =	vld.idx.msk [tilespmem:v6+s11+$0x0], $0xffff;
	v6 =	vand.u32 $0x7FFFF800, v19  }
.LBB2_6:
0x2df: {  	p0 =	sne.s32 s24, $0x37;
	s1 =	smul.u32 $0x1C, s25;
	v6 =	vor.u32 v7, v6  }
0x2e0: {  	v6 =	vor.u32 v21, v6  }
0x2e1: {  	s25 =	sadd.s32 s3, s1  }
0x2e2: {  	v7 =	vmov s25  }
0x2e3: {  	v8 =	vshll.u32 v7, $0x7  }
0x2e4: {  	s21 =	sadd.s32 $0x8, s21;
	v8 =	vor.u32 v3, v8;
	[tilespmem:s26+$0x40] =	vst v5  }
0x2e5: {  	s1 =	sand.u32 $0x38, s21;
	v5 =	vshll.u32 v7, $0x8;
	v7 =	vand.u32 $0x280, v8;
	v6 =	vld.idx.msk [tilespmem:v6+s11+$0x0], $0xffff  }
0x2e6: {  	v21 =	vor.u32 s1, v4;
	v5 =	vor.u32 v7, v5  }
0x2e7: {  	v5 =	vor.u32 v21, v5  }
0x2e8: {  	s1 =	sor.u32 $0x2, s25  }
0x2e9: {  	v7 =	vmov s1  }
0x2ea: {  	v8 =	vshll.u32 v7, $0x7  }
0x2eb: {  	v7 =	vshll.u32 v7, $0x8;
	v8 =	vor.u32 v3, v8;
	[tilespmem:s26+$0x50] =	vst v6  }
0x2ec: {  	v6 =	vand.u32 $0x7FFFF800, v7;
	v7 =	vand.u32 $0x380, v8;
	v5 =	vld.idx.msk [tilespmem:v5+s11+$0x0], $0xffff  }
0x2ed: {  	v6 =	vor.u32 v7, v6  }
0x2ee: {  	v6 =	vor.u32 v21, v6  }
0x2ef: {  	s22 =	sadd.s32 $0x80, s22;
	s23 =	sadd.s32 $0x100, s23;
	s1 =	sadd.s32 $0x4, s25  }
0x2f0: {  	s28 =	sand.u32 $0x380, s22;
	s26 =	sand.u32 $0x3800, s23;
	v7 =	vmov s1  }
0x2f1: {  	s26 =	sor.u32 s28, s26;
	v8 =	vshll.u32 v7, $0x7  }
0x2f2: {  	[tilespmem:s26+$0x14100] =	vst v5;
	v5 =	vshll.u32 v7, $0x8;
	v7 =	vor.u32 v3, v8  }
0x2f3: {  	v6 =	vld.idx.msk [tilespmem:v6+s11+$0x0], $0xffff;
	v5 =	vand.u32 $0x7FFFF800, v5;
	v7 =	vand.u32 $0x280, v7  }
0x2f4: {  	v5 =	vor.u32 v7, v5  }
0x2f5: {  	v5 =	vor.u32 v21, v5  }
0x2f6: {  	s1 =	sadd.s32 $0x6, s25  }
0x2f7: {  	v7 =	vmov s1  }
0x2f8: {  	s28 =	sadd.s32 $0x14100, s26;
	v8 =	vshll.u32 v7, $0x7  }
0x2f9: {  	[tilespmem:s28+$0x10] =	vst v6;
	v6 =	vshll.u32 v7, $0x8;
	v7 =	vor.u32 v3, v8  }
0x2fa: {  	v5 =	vld.idx.msk [tilespmem:v5+s11+$0x0], $0xffff;
	v6 =	vand.u32 $0x7FFFF800, v6;
	v7 =	vand.u32 $0x380, v7  }
0x2fb: {  	v6 =	vor.u32 v7, v6  }
0x2fc: {  	v6 =	vor.u32 v21, v6  }
0x2fd: {  	s1 =	sadd.s32 $0x8, s25  }
0x2fe: {  	v7 =	vmov s1  }
0x2ff: {  	v8 =	vshll.u32 v7, $0x7  }
0x300: {  	[tilespmem:s28+$0x20] =	vst v5;
	v5 =	vshll.u32 v7, $0x8;
	v7 =	vor.u32 v3, v8  }
0x301: {  	v6 =	vld.idx.msk [tilespmem:v6+s11+$0x0], $0xffff;
	v5 =	vand.u32 $0x7FFFF800, v5;
	v7 =	vand.u32 $0x280, v7  }
0x302: {  	v5 =	vor.u32 v7, v5  }
0x303: {  	v5 =	vor.u32 v21, v5  }
0x304: {  	s1 =	sadd.s32 $0xA, s25  }
0x305: {  	v7 =	vmov s1  }
0x306: {  	v8 =	vshll.u32 v7, $0x7  }
0x307: {  	[tilespmem:s28+$0x30] =	vst v6;
	v6 =	vshll.u32 v7, $0x8;
	v7 =	vor.u32 v3, v8  }
0x308: {  	v5 =	vld.idx.msk [tilespmem:v5+s11+$0x0], $0xffff;
	v6 =	vand.u32 $0x7FFFF800, v6;
	v7 =	vand.u32 $0x380, v7  }
0x309: {  	v6 =	vor.u32 v7, v6  }
0x30a: {  	v6 =	vor.u32 v21, v6  }
0x30b: {  	s1 =	sadd.s32 $0xC, s25  }
0x30c: {  	v7 =	vmov s1  }
0x30d: {  	v8 =	vshll.u32 v7, $0x7  }
0x30e: {  	[tilespmem:s28+$0x40] =	vst v5;
	v5 =	vshll.u32 v7, $0x8;
	v7 =	vor.u32 v3, v8  }
0x30f: {  	v6 =	vld.idx.msk [tilespmem:v6+s11+$0x0], $0xffff;
	v5 =	vand.u32 $0x7FFFF800, v5;
	v7 =	vand.u32 $0x280, v7  }
0x310: {  	v5 =	vor.u32 v7, v5  }
0x311: {  	v5 =	vor.u32 v21, v5  }
0x312: {  	s1 =	sadd.s32 $0xE, s25  }
0x313: {  	v7 =	vmov s1  }
0x314: {  	v8 =	vshll.u32 v7, $0x7  }
0x315: {  	[tilespmem:s28+$0x50] =	vst v6;
	v6 =	vshll.u32 v7, $0x8;
	v7 =	vor.u32 v3, v8  }
0x316: {  	v5 =	vld.idx.msk [tilespmem:v5+s11+$0x0], $0xffff;
	v6 =	vand.u32 $0x7FFFF800, v6;
	v7 =	vand.u32 $0x380, v7  }
0x317: {  	v6 =	vor.u32 v7, v6  }
0x318: {  	v6 =	vor.u32 v21, v6  }
0x319: {  	s1 =	sadd.s32 $0x10, s25  }
0x31a: {  	v7 =	vmov s1  }
0x31b: {  	v8 =	vshll.u32 v7, $0x7  }
0x31c: {  	[tilespmem:s28+$0x60] =	vst v5;
	v5 =	vshll.u32 v7, $0x8;
	v7 =	vor.u32 v3, v8  }
0x31d: {  	v6 =	vld.idx.msk [tilespmem:v6+s11+$0x0], $0xffff;
	v5 =	vand.u32 $0x7FFFF800, v5;
	v7 =	vand.u32 $0x280, v7  }
0x31e: {  	v5 =	vor.u32 v7, v5  }
0x31f: {  	v5 =	vor.u32 v21, v5  }
0x320: {  	s1 =	sadd.s32 $0x12, s25  }
0x321: {  	v7 =	vmov s1  }
0x322: {  	v8 =	vshll.u32 v7, $0x7  }
0x323: {  	[tilespmem:s28+$0x70] =	vst v6;
	v6 =	vshll.u32 v7, $0x8;
	v7 =	vor.u32 v3, v8  }
0x324: {  	v5 =	vld.idx.msk [tilespmem:v5+s11+$0x0], $0xffff;
	v6 =	vand.u32 $0x7FFFF800, v6;
	v7 =	vand.u32 $0x380, v7  }
0x325: {  	v6 =	vor.u32 v7, v6  }
0x326: {  	v6 =	vor.u32 v21, v6  }
0x327: {  	s1 =	sadd.s32 $0x14, s25  }
0x328: {  	v7 =	vmov s1  }
0x329: {  	v8 =	vshll.u32 v7, $0x7  }
0x32a: {  	[tilespmem:s26+$0x14500] =	vst v5;
	v5 =	vshll.u32 v7, $0x8;
	v7 =	vor.u32 v3, v8  }
0x32b: {  	v6 =	vld.idx.msk [tilespmem:v6+s11+$0x0], $0xffff;
	v5 =	vand.u32 $0x7FFFF800, v5;
	v7 =	vand.u32 $0x280, v7  }
0x32c: {  	v5 =	vor.u32 v7, v5  }
0x32d: {  	v5 =	vor.u32 v21, v5  }
0x32e: {  	s1 =	sadd.s32 $0x16, s25  }
0x32f: {  	v7 =	vmov s1  }
0x330: {  	s26 =	sadd.s32 $0x14500, s26;
	v8 =	vshll.u32 v7, $0x7  }
0x331: {  	[tilespmem:s26+$0x10] =	vst v6;
	v6 =	vshll.u32 v7, $0x8;
	v7 =	vor.u32 v3, v8  }
0x332: {  	v5 =	vld.idx.msk [tilespmem:v5+s11+$0x0], $0xffff;
	v6 =	vand.u32 $0x7FFFF800, v6;
	v7 =	vand.u32 $0x380, v7  }
0x333: {  	v6 =	vor.u32 v7, v6  }
0x334: {  	v6 =	vor.u32 v21, v6  }
0x335: {  	s1 =	sadd.s32 $0x18, s25  }
0x336: {  	v7 =	vmov s1  }
0x337: {  	v8 =	vshll.u32 v7, $0x7  }
0x338: {  	[tilespmem:s26+$0x20] =	vst v5;
	v5 =	vshll.u32 v7, $0x8;
	v7 =	vor.u32 v3, v8  }
0x339: {  	v6 =	vld.idx.msk [tilespmem:v6+s11+$0x0], $0xffff;
	v5 =	vand.u32 $0x7FFFF800, v5;
	v7 =	vand.u32 $0x280, v7  }
0x33a: {  	v5 =	vor.u32 v7, v5  }
0x33b: {  	v5 =	vor.u32 v21, v5  }
.Ltmp2:
0x33c: {  	s1 =	sadd.s32 $0x1A, s25;
	(pc) =	sbr.rel @p0 .LBB2_6-.Ltmp2, $4  }
0x33d: {  	v7 =	vmov s1  }
0x33e: {  	v8 =	vshll.u32 v7, $0x7  }
0x33f: {  	[tilespmem:s26+$0x30] =	vst v6;
	v6 =	vshll.u32 v7, $0x8;
	v7 =	vor.u32 v3, v8  }
0x340: {  	s25 =	sshrl.u32 s24, $0x3;
	s24 =	sadd.s32 $0x1, s24;
	v5 =	vld.idx.msk [tilespmem:v5+s11+$0x0], $0xffff;
	v6 =	vand.u32 $0x7FFFF800, v6;
	v7 =	vand.u32 $0x380, v7  }
0x341: {  	s1 =	smul.u32 $0x1C, s25  }
0x342: {  	v6 =	vor.u32 v7, v6  }
0x343: {  	v6 =	vor.u32 v21, v6;
	s24 =	sadd.s32 s3, s1  }
0x344: {  	v7 =	vmov s24  }
0x345: {  	v8 =	vshll.u32 v7, $0x7  }
0x346: {  	s25 =	sadd.s32 $0x8, s21;
	v8 =	vor.u32 v3, v8  }
0x347: {  	s1 =	sand.u32 $0x38, s25;
	[tilespmem:s26+$0x40] =	vst v5;
	v7 =	vshll.u32 v7, $0x8;
	v8 =	vand.u32 $0x280, v8  }
0x348: {  	v5 =	vor.u32 s1, v4;
	v6 =	vld.idx.msk [tilespmem:v6+s11+$0x0], $0xffff;
	v7 =	vor.u32 v8, v7  }
0x349: {  	s28 =	sor.u32 $0x2, s24;
	v7 =	vor.u32 v5, v7  }
0x34a: {  	v26 =	vmov s28  }
0x34b: {  	v9 =	vshll.u32 v26, $0x7  }
0x34c: {  	v9 =	vor.u32 v3, v9;
	v8 =	vshll.u32 v26, $0x8  }
0x34d: {  	v27 =	vand.u32 $0x380, v9;
	[tilespmem:s26+$0x50] =	vst v6;
	v6 =	vand.u32 $0x7FFFF800, v8  }
0x34e: {  	v6 =	vor.u32 v27, v6;
	v7 =	vld.idx.msk [tilespmem:v7+s11+$0x0], $0xffff  }
0x34f: {  	s29 =	sadd.s32 $0x4, s24;
	v6 =	vor.u32 v5, v6  }
0x350: {  	s30 =	sadd.s32 $0x80, s22;
	s31 =	sadd.s32 $0x100, s23;
	v28 =	vmov s29  }
0x351: {  	s23 =	sand.u32 $0x3800, s31;
	s21 =	sand.u32 $0x380, s30;
	v29 =	vshll.u32 v28, $0x7  }
0x352: {  	s21 =	sor.u32 s21, s23;
	v9 =	vor.u32 v3, v29;
	v8 =	vshll.u32 v28, $0x8  }
0x353: {  	v30 =	vand.u32 $0x280, v9;
	[tilespmem:s21+$0x14100] =	vst v7;
	v7 =	vand.u32 $0x7FFFF800, v8  }
0x354: {  	v6 =	vld.idx.msk [tilespmem:v6+s11+$0x0], $0xffff;
	v7 =	vor.u32 v30, v7  }
0x355: {  	s25 =	sadd.s32 $0x6, s24;
	v7 =	vor.u32 v5, v7  }
0x356: {  	v31 =	vmov s25  }
0x357: {  	v32 =	vshll.u32 v31, $0x7  }
0x358: {  	v9 =	vor.u32 v3, v32;
	s26 =	sadd.s32 $0x14100, s21;
	v8 =	vshll.u32 v31, $0x8  }
0x359: {  	v33 =	vand.u32 $0x380, v9;
	[tilespmem:s26+$0x10] =	vst v6;
	v6 =	vand.u32 $0x7FFFF800, v8  }
0x35a: {  	v7 =	vld.idx.msk [tilespmem:v7+s11+$0x0], $0xffff;
	v6 =	vor.u32 v33, v6  }
0x35b: {  	s28 =	sadd.s32 $0x8, s24;
	v6 =	vor.u32 v5, v6  }
0x35c: {  	v34 =	vmov s28  }
0x35d: {  	v35 =	vshll.u32 v34, $0x7  }
0x35e: {  	v9 =	vor.u32 v3, v35;
	v8 =	vshll.u32 v34, $0x8  }
0x35f: {  	v36 =	vand.u32 $0x280, v9;
	[tilespmem:s26+$0x20] =	vst v7;
	v7 =	vand.u32 $0x7FFFF800, v8  }
0x360: {  	v6 =	vld.idx.msk [tilespmem:v6+s11+$0x0], $0xffff;
	v7 =	vor.u32 v36, v7  }
0x361: {  	s29 =	sadd.s32 $0xA, s24;
	v7 =	vor.u32 v5, v7  }
0x362: {  	v37 =	vmov s29  }
0x363: {  	v38 =	vshll.u32 v37, $0x7  }
0x364: {  	v9 =	vor.u32 v3, v38;
	v8 =	vshll.u32 v37, $0x8  }
0x365: {  	v39 =	vand.u32 $0x380, v9;
	[tilespmem:s26+$0x30] =	vst v6;
	v6 =	vand.u32 $0x7FFFF800, v8  }
0x366: {  	v7 =	vld.idx.msk [tilespmem:v7+s11+$0x0], $0xffff;
	v6 =	vor.u32 v39, v6  }
0x367: {  	s30 =	sadd.s32 $0xC, s24;
	v6 =	vor.u32 v5, v6  }
0x368: {  	v40 =	vmov s30  }
0x369: {  	v41 =	vshll.u32 v40, $0x7  }
0x36a: {  	v9 =	vor.u32 v3, v41;
	v8 =	vshll.u32 v40, $0x8  }
0x36b: {  	v42 =	vand.u32 $0x280, v9;
	[tilespmem:s26+$0x40] =	vst v7;
	v7 =	vand.u32 $0x7FFFF800, v8  }
0x36c: {  	v6 =	vld.idx.msk [tilespmem:v6+s11+$0x0], $0xffff;
	v7 =	vor.u32 v42, v7  }
0x36d: {  	s31 =	sadd.s32 $0xE, s24;
	v7 =	vor.u32 v5, v7  }
0x36e: {  	v43 =	vmov s31  }
0x36f: {  	v44 =	vshll.u32 v43, $0x7  }
0x370: {  	v9 =	vor.u32 v3, v44;
	v8 =	vshll.u32 v43, $0x8  }
0x371: {  	v45 =	vand.u32 $0x380, v9;
	[tilespmem:s26+$0x50] =	vst v6;
	v6 =	vand.u32 $0x7FFFF800, v8  }
0x372: {  	v7 =	vld.idx.msk [tilespmem:v7+s11+$0x0], $0xffff;
	v6 =	vor.u32 v45, v6  }
0x373: {  	s23 =	sadd.s32 $0x10, s24;
	v6 =	vor.u32 v5, v6  }
0x374: {  	v46 =	vmov s23  }
0x375: {  	v47 =	vshll.u32 v46, $0x7  }
0x376: {  	v9 =	vor.u32 v3, v47;
	v8 =	vshll.u32 v46, $0x8  }
0x377: {  	v48 =	vand.u32 $0x280, v9;
	[tilespmem:s26+$0x60] =	vst v7;
	v7 =	vand.u32 $0x7FFFF800, v8  }
0x378: {  	v6 =	vld.idx.msk [tilespmem:v6+s11+$0x0], $0xffff;
	v7 =	vor.u32 v48, v7  }
0x379: {  	s25 =	sadd.s32 $0x12, s24;
	v7 =	vor.u32 v5, v7  }
0x37a: {  	v49 =	vmov s25  }
0x37b: {  	v50 =	vshll.u32 v49, $0x7  }
0x37c: {  	v9 =	vor.u32 v3, v50;
	v8 =	vshll.u32 v49, $0x8  }
0x37d: {  	v51 =	vand.u32 $0x380, v9;
	[tilespmem:s26+$0x70] =	vst v6;
	v6 =	vand.u32 $0x7FFFF800, v8  }
0x37e: {  	v7 =	vld.idx.msk [tilespmem:v7+s11+$0x0], $0xffff;
	v6 =	vor.u32 v51, v6  }
0x37f: {  	s26 =	sadd.s32 $0x14, s24;
	v6 =	vor.u32 v5, v6  }
0x380: {  	v52 =	vmov s26  }
0x381: {  	v53 =	vshll.u32 v52, $0x7  }
0x382: {  	v8 =	vshll.u32 v52, $0x8;
	v9 =	vor.u32 v3, v53  }
0x383: {  	v54 =	vand.u32 $0x280, v9;
	[tilespmem:s21+$0x14500] =	vst v7;
	v7 =	vand.u32 $0x7FFFF800, v8  }
0x384: {  	v6 =	vld.idx.msk [tilespmem:v6+s11+$0x0], $0xffff;
	v7 =	vor.u32 v54, v7  }
0x385: {  	s28 =	sadd.s32 $0x16, s24;
	v7 =	vor.u32 v5, v7  }
0x386: {  	v55 =	vmov s28  }
0x387: {  	v56 =	vshll.u32 v55, $0x7  }
0x388: {  	s29 =	sadd.s32 $0x14500, s21;
	v9 =	vor.u32 v3, v56;
	v8 =	vshll.u32 v55, $0x8  }
0x389: {  	v57 =	vand.u32 $0x380, v9;
	[tilespmem:s29+$0x10] =	vst v6;
	v6 =	vand.u32 $0x7FFFF800, v8  }
0x38a: {  	v7 =	vld.idx.msk [tilespmem:v7+s11+$0x0], $0xffff;
	v6 =	vor.u32 v57, v6  }
0x38b: {  	s30 =	sadd.s32 $0x18, s24;
	v6 =	vor.u32 v5, v6  }
0x38c: {  	v58 =	vmov s30  }
0x38d: {  	v59 =	vshll.u32 v58, $0x7  }
0x38e: {  	v9 =	vor.u32 v3, v59;
	v8 =	vshll.u32 v58, $0x8  }
0x38f: {  	v60 =	vand.u32 $0x280, v9;
	[tilespmem:s29+$0x20] =	vst v7;
	v7 =	vand.u32 $0x7FFFF800, v8  }
0x390: {  	v6 =	vld.idx.msk [tilespmem:v6+s11+$0x0], $0xffff;
	v7 =	vor.u32 v60, v7  }
0x391: {  	s31 =	sadd.s32 $0x1A, s24;
	v7 =	vor.u32 v5, v7  }
0x392: {  	v61 =	vmov s31  }
0x393: {  	v62 =	vshll.u32 v61, $0x7  }
0x394: {  	v9 =	vor.u32 v3, v62;
	v8 =	vshll.u32 v61, $0x8  }
0x395: {  	v63 =	vand.u32 $0x380, v9;
	[tilespmem:s29+$0x30] =	vst v6;
	v6 =	vand.u32 $0x7FFFF800, v8  }
0x396: {  	v7 =	vld.idx.msk [tilespmem:v7+s11+$0x0], $0xffff;
	v6 =	vor.u32 v63, v6  }
0x397: {  	v5 =	vor.u32 v5, v6;
	_ =	sdelay $0x3  }
0x398: {  	[tilespmem:s29+$0x40] =	vst v7  }
0x399: {  	v5 =	vld.idx.msk [tilespmem:v5+s11+$0x0], $0xffff;
	_ =	sdelay $0x4  }
0x39a: {  	[tilespmem:s29+$0x50] =	vst v5  }
0x39b: {  	[hbm4b:s5+s2] =	stream.linear.scatter [tilespmem:s17], [sflag:$0x2], $0x3800, $0x38;
	[tilespmem:$0x17900] =	vst v63  }
0x39c: {  	_ =	swait.ge [sflag:s10], $0x3800  }
0x39d: {  	[sflag:s10] =	ssyncset.done $0x0  }
0x39e: {  	[sflag:s10] =	ssyncadd.s32 $0xFFFFC800  }
0x39f: {  	[hbm4b:s7+s2] =	stream.linear.scatter [tilespmem:s18], [sflag:$0x2], $0x3800, $0x38;
	[tilespmem:$0x17900] =	vst v63  }
0x3a0: {  	s20 =	sadd.s32 $0x1, s20;
	_ =	swait.ge [sflag:s10], $0x3800  }
0x3a1: {  	p0 =	sne.s32 s20, s9;
	[sflag:s10] =	ssyncset.done $0x0  }
.Ltmp3:
0x3a2: {  	[sflag:s10] =	ssyncadd.s32 $0xFFFFC800;
	(pc) =	sbr.rel @p0 .LBB2_1-.Ltmp3, $4  }
0x3a3: {  	[hbm4b:s8+s2] =	stream.linear.scatter [tilespmem:s19], [sflag:$0x2], $0x3800, $0x38;
	[tilespmem:$0x17900] =	vst v63  }
0x3a4: {  	_ =	swait.ge [sflag:s10], $0x3800  }
0x3a5: {  	[sflag:s10] =	ssyncset.done $0x0  }
0x3a6: {  	[sflag:s10] =	ssyncadd.s32 $0xFFFFC800  }
0x3a7: {  	_ =	sfence.sel $0x180000  }
0x3a8: {  	[bflag:$0x0] =	sbarrier.arrive $0xFFFF  }
0x3a9: {  	_ =	strace $0x90000047  }
0x3aa: {  	s0 =	stileid.u32;
	[bflag:$0x2] =	sbarrier.arrive $0xFFFF  }
0x3ab: {  	p0 =	sne.s32 s0, $0x0;
	s0 =	rddreg [dreg:$0x2]  }
0x3ac: {  	s0 =	sadd.s32 @!p0 $0x100000, s0  }
0x3ad: {  	[sflag:s0] =	ssyncadd.tile.s32 @!p0 $0x1;
	_ =	shalt  }
.Lfunc_end2:
_tile_overlayer_lowered:
.L_overlay_start_2:
0x3ae: {  	(tag) =	ssettag $0x2  }
0x3af: {  	s0 =	rddreg [dreg:$0x0];
	s2 =	stileid.u32  }
0x3b0: {  	s1 =	rddreg [dreg:$0x1];
	p0 =	sne.s32 s2, $0x0  }
0x3b1: {  	s3 =	rddreg [dreg:$0x2];
	[bflag:$0x3] =	sbarrier.arrive $0xFFFF;
	s2 =	simm.s32 @!p0 $0x1C02  }
0x3b2: {  	[timem:s3], [sflag:s2] =	dma.local @!p0 [hbm:s0], s1  }
0x3b3: {  	s0 =	simm.s32 @!p0 $0x2  }
0x3b4: {  	_ =	swait.ge @!p0 [sflag:s0], s1  }
0x3b5: {  	s1 =	ssub.s32 @!p0 $0x0, s1;
	[sflag:s0] =	ssyncset.done @!p0 $0x0  }
0x3b6: {  	[sflag:s0] =	ssyncadd.s32 @!p0 s1  }
0x3b7: {  	[bflag:$0x3] =	sbarrier.arrive $0xFFFF  }
0x3b8: {  	_ =	shalt  }

</sc_bundles>
